<compile_context>
chip_gen: v7x
topology: tpu7x:2x2x1
jax: 0.10.2.dev20260603
libtpu: 0.0.44.dev20260713+nightly
codegen_flags: <defaults>
</compile_context>

<pallas_src>
import functools

import jax
import jax.numpy as jnp
from jax import lax
from jax.experimental import pallas as pl
from jax.experimental.pallas import tpu as pltpu
from jax.experimental.pallas import tpu_sc as plsc

_B = 16384
_EMB = 16
_NC = 2
_NS = 16
_NW = _NC * _NS
_BPW = _B // _NW
_GRP = 8
_NSTG = _BPW // _GRP


def _cf_body(u_ref, i_ref, ut_ref, it_ref, w_ref, b_ref, out_ref,
             uidx, iidx, prodT, outv, wv, bv, sema, semb, *bufs):
    ubufs = bufs[:2 * _GRP]
    ibufs = bufs[2 * _GRP:]
    sems = (sema, semb)
    wid = lax.axis_index("s") * _NC + lax.axis_index("c")
    base = wid * _BPW

    pltpu.sync_copy(u_ref.at[pl.ds(base, _BPW)], uidx)
    pltpu.sync_copy(i_ref.at[pl.ds(base, _BPW)], iidx)
    pltpu.sync_copy(w_ref, wv)
    pltpu.sync_copy(b_ref, bv)

    lane = lax.iota(jnp.int32, 16)

    def fire(c, half, ph):
        uc = uidx[pl.ds(c * 16, 16)]
        ic = iidx[pl.ds(c * 16, 16)]
        for k in range(_GRP):
            ru = uc[half * _GRP + k]
            ri = ic[half * _GRP + k]
            pltpu.async_copy(
                ut_ref.at[:, pl.ds((ru >> 7) * 128, 128)],
                ubufs[ph * _GRP + k], sems[ph])
            pltpu.async_copy(
                it_ref.at[:, pl.ds((ri >> 7) * 128, 128)],
                ibufs[ph * _GRP + k], sems[ph])

    def drain(ph):
        for k in range(_GRP):
            pltpu.make_async_copy(
                ut_ref.at[:, pl.ds(0, 128)], ubufs[ph * _GRP + k], sems[ph]
            ).wait()
            pltpu.make_async_copy(
                it_ref.at[:, pl.ds(0, 128)], ibufs[ph * _GRP + k], sems[ph]
            ).wait()

    def process(c, half, ph):
        uc = uidx[pl.ds(c * 16, 16)]
        ic = iidx[pl.ds(c * 16, 16)]
        for k in range(_GRP):
            j = c * 16 + half * _GRP + k
            ru = uc[half * _GRP + k]
            ri = ic[half * _GRP + k]
            ucol = jnp.broadcast_to(ru & 127, (16,))
            icol = jnp.broadcast_to(ri & 127, (16,))
            uv = plsc.load_gather(ubufs[ph * _GRP + k], [lane, ucol])
            iv = plsc.load_gather(ibufs[ph * _GRP + k], [lane, icol])
            plsc.store_scatter(prodT, [lane * _BPW + j], uv * iv)

    fire(0, 0, 0)

    def body(t, carry):
        fire(t, 1, 1)
        drain(0)
        process(t, 0, 0)
        @pl.when(t + 1 < _NSTG // 2)
        def _():
            fire(t + 1, 0, 0)
        drain(1)
        process(t, 1, 1)
        return carry

    lax.fori_loop(0, _NSTG // 2, body, 0)

    w = wv[...]
    b = bv[...]

    def g_body(g, carry):
        sl = pl.ds(g * 16, 16)
        acc = prodT[sl]
        for e in range(1, _EMB):
            acc = acc + prodT[pl.ds(e * _BPW + g * 16, 16)]
        r = acc * w + b
        outv[sl] = 1.0 / (1.0 + jnp.exp(-r))
        return carry

    lax.fori_loop(0, _BPW // 16, g_body, 0)
    pltpu.sync_copy(outv, out_ref.at[pl.ds(base, _BPW)])


@functools.partial(
    pl.kernel,
    out_type=jax.ShapeDtypeStruct((_B,), jnp.float32),
    mesh=plsc.VectorSubcoreMesh(core_axis_name="c", subcore_axis_name="s"),
    compiler_params=pltpu.CompilerParams(needs_layout_passes=False),
    scratch_types=(
        [
            pltpu.VMEM((_BPW,), jnp.int32),
            pltpu.VMEM((_BPW,), jnp.int32),
            pltpu.VMEM((_BPW * _EMB,), jnp.float32),
            pltpu.VMEM((_BPW,), jnp.float32),
            pltpu.VMEM((16,), jnp.float32),
            pltpu.VMEM((16,), jnp.float32),
            pltpu.SemaphoreType.DMA,
            pltpu.SemaphoreType.DMA,
        ]
        + [pltpu.VMEM((16, 128), jnp.float32) for _ in range(4 * _GRP)]
    ),
)
def _cf_sc(u_ref, i_ref, ut_ref, it_ref, w_ref, b_ref, out_ref, *scratch):
    _cf_body(u_ref, i_ref, ut_ref, it_ref, w_ref, b_ref, out_ref, *scratch)


def kernel(u, i, user_emb, item_emb, W, b):
    u32 = u.astype(jnp.int32)
    i32 = i.astype(jnp.int32)
    w16 = jnp.broadcast_to(W.reshape((1,)), (16,))
    b16 = jnp.broadcast_to(b.reshape((1,)), (16,))
    out = _cf_sc(u32, i32, user_emb.T, item_emb.T, w16, b16)
    return out.reshape(_B, 1, 1)

# --- scband reference (transcript-rebuilt; emitter-appended) ---
"""Pipeline reference for scband-simple-cf-34703335752365 (READ-ONLY COPY).

The authoritative reference and input builder live on the scoring server;
editing this copy changes nothing except your own understanding.
"""

import jax, jax.numpy as jnp
import numpy as np

N_USERS = 1000000
N_ITEMS = 1000000
EMB = 16
BATCH = 16384

def setup_inputs(seed: int = 0) -> dict:
    key = jax.random.key(seed)
    k1, k2, k3, k4, k5, k6 = jax.random.split(key, 6)
    u = jax.random.randint(k1, (BATCH,), 0, N_USERS, dtype=jnp.int64) if jax.config.jax_enable_x64 else jax.random.randint(k1, (BATCH,), 0, N_USERS, dtype=jnp.int32)
    i = jax.random.randint(k2, (BATCH,), 0, N_ITEMS, dtype=jnp.int64) if jax.config.jax_enable_x64 else jax.random.randint(k2, (BATCH,), 0, N_ITEMS, dtype=jnp.int32)
    user_emb = jax.random.normal(k3, (N_USERS, EMB), dtype=jnp.float32)
    item_emb = jax.random.normal(k4, (N_ITEMS, EMB), dtype=jnp.float32)
    # nn.Linear(1, 1): weight [1,1], bias [1], kaiming-uniform-ish init approximated with uniform
    W = jax.random.uniform(k5, (1, 1), dtype=jnp.float32, minval=-1.0, maxval=1.0)
    b = jax.random.uniform(k6, (1,), dtype=jnp.float32, minval=-1.0, maxval=1.0)
    return {"u": u, "i": i, "user_emb": user_emb, "item_emb": item_emb, "W": W, "b": b}

def reference(u, i, user_emb, item_emb, W, b):
    # embedding lookups (gather)
    ue = jnp.take(user_emb, u, axis=0)[:, None, :]   # [B, 1, E]
    ie = jnp.take(item_emb, i, axis=0)[:, None, :]   # [B, 1, E]
    # batched dot product: [B,1,E] @ [B,E,1] -> [B,1,1]
    rating = jnp.matmul(ue, jnp.swapaxes(ie, 1, 2))
    # nn.Linear(1,1): y = x * W^T + b (last dim is 1)
    rating = rating * W[0, 0] + b[0]
    return jax.nn.sigmoid(rating)

if __name__ == "__main__":
    import jax
    _d = setup_inputs()
    print(jax.jit(kernel)(*tuple(_d.values())))

</pallas_src>

<mosaic_0001>
#map = affine_map<(d0, d1) -> (0)>
#map1 = affine_map<(d0, d1) -> (0, 0)>
module attributes {stable_mosaic.version = 14 : i64} {
  func.func @_cf_sc(%arg0: i32, %arg1: i32, %arg2: memref<16384xi32, #tpu.memory_space<hbm>>, %arg3: memref<16384xi32, #tpu.memory_space<hbm>>, %arg4: memref<16x1000000xf32, #tpu.memory_space<hbm>>, %arg5: memref<16x1000000xf32, #tpu.memory_space<hbm>>, %arg6: memref<16xf32, #tpu.memory_space<hbm>>, %arg7: memref<16xf32, #tpu.memory_space<hbm>>, %arg8: memref<16384xf32, #tpu.memory_space<hbm>>, %arg9: memref<512xi32, #tpu.memory_space<vmem>>, %arg10: memref<512xi32, #tpu.memory_space<vmem>>, %arg11: memref<8192xf32, #tpu.memory_space<vmem>>, %arg12: memref<512xf32, #tpu.memory_space<vmem>>, %arg13: memref<16xf32, #tpu.memory_space<vmem>>, %arg14: memref<16xf32, #tpu.memory_space<vmem>>, %arg15: memref<!tpu.dma_semaphore, #tpu.memory_space<semaphore_mem>>, %arg16: memref<!tpu.dma_semaphore, #tpu.memory_space<semaphore_mem>>, %arg17: memref<16x128xf32, #tpu.memory_space<vmem>>, %arg18: memref<16x128xf32, #tpu.memory_space<vmem>>, %arg19: memref<16x128xf32, #tpu.memory_space<vmem>>, %arg20: memref<16x128xf32, #tpu.memory_space<vmem>>, %arg21: memref<16x128xf32, #tpu.memory_space<vmem>>, %arg22: memref<16x128xf32, #tpu.memory_space<vmem>>, %arg23: memref<16x128xf32, #tpu.memory_space<vmem>>, %arg24: memref<16x128xf32, #tpu.memory_space<vmem>>, %arg25: memref<16x128xf32, #tpu.memory_space<vmem>>, %arg26: memref<16x128xf32, #tpu.memory_space<vmem>>, %arg27: memref<16x128xf32, #tpu.memory_space<vmem>>, %arg28: memref<16x128xf32, #tpu.memory_space<vmem>>, %arg29: memref<16x128xf32, #tpu.memory_space<vmem>>, %arg30: memref<16x128xf32, #tpu.memory_space<vmem>>, %arg31: memref<16x128xf32, #tpu.memory_space<vmem>>, %arg32: memref<16x128xf32, #tpu.memory_space<vmem>>, %arg33: memref<16x128xf32, #tpu.memory_space<vmem>>, %arg34: memref<16x128xf32, #tpu.memory_space<vmem>>, %arg35: memref<16x128xf32, #tpu.memory_space<vmem>>, %arg36: memref<16x128xf32, #tpu.memory_space<vmem>>, %arg37: memref<16x128xf32, #tpu.memory_space<vmem>>, %arg38: memref<16x128xf32, #tpu.memory_space<vmem>>, %arg39: memref<16x128xf32, #tpu.memory_space<vmem>>, %arg40: memref<16x128xf32, #tpu.memory_space<vmem>>, %arg41: memref<16x128xf32, #tpu.memory_space<vmem>>, %arg42: memref<16x128xf32, #tpu.memory_space<vmem>>, %arg43: memref<16x128xf32, #tpu.memory_space<vmem>>, %arg44: memref<16x128xf32, #tpu.memory_space<vmem>>, %arg45: memref<16x128xf32, #tpu.memory_space<vmem>>, %arg46: memref<16x128xf32, #tpu.memory_space<vmem>>, %arg47: memref<16x128xf32, #tpu.memory_space<vmem>>, %arg48: memref<16x128xf32, #tpu.memory_space<vmem>>) attributes {dimension_semantics = [#tpu.dimension_semantics<core_parallel>, #tpu.dimension_semantics<subcore_parallel>], iteration_bounds = array<i64: 2, 16>, scalar_prefetch = 0 : i64, scratch_operands = 40 : i64, tpu.core_type = #tpu.core_type<sc_vector_subcore>, window_params = [{transform_indices = #map}, {transform_indices = #map}, {transform_indices = #map1}, {transform_indices = #map1}, {transform_indices = #map}, {transform_indices = #map}, {transform_indices = #map}]} {
    %mul3A = arith.constant 2 : i32
    %mul3A_0 = arith.muli %arg1, %mul3A : i32
    %add3A = arith.addi %mul3A_0, %arg0 : i32
    %mul3A_1 = arith.constant 512 : i32
    %mul3A_2 = arith.muli %add3A, %mul3A_1 : i32
    "tpu.region"() ({
      %run_scoped3A = tpu.sem_alloc : memref<!tpu.dma_semaphore, #tpu.memory_space<semaphore_mem>>
      %dma_start3A_177 = tpu.memref_slice %arg2[%mul3A_2] : memref<16384xi32, #tpu.memory_space<hbm>> -> memref<512xi32, #tpu.memory_space<hbm>>
      %dma_start3A_178 = tpu.memref_slice %arg2[%mul3A_2] : memref<16384xi32, #tpu.memory_space<hbm>> -> memref<512xi32, #tpu.memory_space<hbm>>
      tpu.enqueue_dma source(%dma_start3A_178 : memref<512xi32, #tpu.memory_space<hbm>>) target(%arg9 : memref<512xi32, #tpu.memory_space<vmem>>) target_semaphore(%run_scoped3A : memref<!tpu.dma_semaphore, #tpu.memory_space<semaphore_mem>>)
      %dma_wait3A = tpu.memref_slice %arg2[%mul3A_2] : memref<16384xi32, #tpu.memory_space<hbm>> -> memref<512xi32, #tpu.memory_space<hbm>>
      %dma_wait3A_179 = tpu.memref_slice %arg2[%mul3A_2] : memref<16384xi32, #tpu.memory_space<hbm>> -> memref<512xi32, #tpu.memory_space<hbm>>
      tpu.wait_dma2 semaphore(%run_scoped3A : memref<!tpu.dma_semaphore, #tpu.memory_space<semaphore_mem>>) src(%dma_wait3A_179 : memref<512xi32, #tpu.memory_space<hbm>>) dst(%arg9 : memref<512xi32, #tpu.memory_space<vmem>>)
      tpu.yield
    }) : () -> ()
    "tpu.region"() ({
      %run_scoped3A = tpu.sem_alloc : memref<!tpu.dma_semaphore, #tpu.memory_space<semaphore_mem>>
      %dma_start3A_177 = tpu.memref_slice %arg3[%mul3A_2] : memref<16384xi32, #tpu.memory_space<hbm>> -> memref<512xi32, #tpu.memory_space<hbm>>
      %dma_start3A_178 = tpu.memref_slice %arg3[%mul3A_2] : memref<16384xi32, #tpu.memory_space<hbm>> -> memref<512xi32, #tpu.memory_space<hbm>>
      tpu.enqueue_dma source(%dma_start3A_178 : memref<512xi32, #tpu.memory_space<hbm>>) target(%arg10 : memref<512xi32, #tpu.memory_space<vmem>>) target_semaphore(%run_scoped3A : memref<!tpu.dma_semaphore, #tpu.memory_space<semaphore_mem>>)
      %dma_wait3A = tpu.memref_slice %arg3[%mul3A_2] : memref<16384xi32, #tpu.memory_space<hbm>> -> memref<512xi32, #tpu.memory_space<hbm>>
      %dma_wait3A_179 = tpu.memref_slice %arg3[%mul3A_2] : memref<16384xi32, #tpu.memory_space<hbm>> -> memref<512xi32, #tpu.memory_space<hbm>>
      tpu.wait_dma2 semaphore(%run_scoped3A : memref<!tpu.dma_semaphore, #tpu.memory_space<semaphore_mem>>) src(%dma_wait3A_179 : memref<512xi32, #tpu.memory_space<hbm>>) dst(%arg10 : memref<512xi32, #tpu.memory_space<vmem>>)
      tpu.yield
    }) : () -> ()
    "tpu.region"() ({
      %run_scoped3A = tpu.sem_alloc : memref<!tpu.dma_semaphore, #tpu.memory_space<semaphore_mem>>
      tpu.enqueue_dma source(%arg6 : memref<16xf32, #tpu.memory_space<hbm>>) target(%arg13 : memref<16xf32, #tpu.memory_space<vmem>>) target_semaphore(%run_scoped3A : memref<!tpu.dma_semaphore, #tpu.memory_space<semaphore_mem>>)
      tpu.wait_dma2 semaphore(%run_scoped3A : memref<!tpu.dma_semaphore, #tpu.memory_space<semaphore_mem>>) src(%arg6 : memref<16xf32, #tpu.memory_space<hbm>>) dst(%arg13 : memref<16xf32, #tpu.memory_space<vmem>>)
      tpu.yield
    }) : () -> ()
    "tpu.region"() ({
      %run_scoped3A = tpu.sem_alloc : memref<!tpu.dma_semaphore, #tpu.memory_space<semaphore_mem>>
      tpu.enqueue_dma source(%arg7 : memref<16xf32, #tpu.memory_space<hbm>>) target(%arg14 : memref<16xf32, #tpu.memory_space<vmem>>) target_semaphore(%run_scoped3A : memref<!tpu.dma_semaphore, #tpu.memory_space<semaphore_mem>>)
      tpu.wait_dma2 semaphore(%run_scoped3A : memref<!tpu.dma_semaphore, #tpu.memory_space<semaphore_mem>>) src(%arg7 : memref<16xf32, #tpu.memory_space<hbm>>) dst(%arg14 : memref<16xf32, #tpu.memory_space<vmem>>)
      tpu.yield
    }) : () -> ()
    %iota3A = tpu.iota {dimensions = array<i32: 0>} : vector<16xi32>
    %get3A = arith.constant 0 : index
    %get3A_3 = tpu.vector_load %arg9[%get3A] {strides = array<i32>} : memref<512xi32, #tpu.memory_space<vmem>>, vector<16xi32>,
    %get3A_4 = arith.constant 0 : index
    %get3A_5 = tpu.vector_load %arg10[%get3A_4] {strides = array<i32>} : memref<512xi32, #tpu.memory_space<vmem>>, vector<16xi32>,
    %slice3A = vector.extract_strided_slice %get3A_3 {offsets = [0], sizes = [1], strides = [1]} : vector<16xi32> to vector<1xi32>
    %squeeze3A = vector.extract %slice3A[0] : i32 from vector<1xi32>
    %slice3A_6 = vector.extract_strided_slice %get3A_5 {offsets = [0], sizes = [1], strides = [1]} : vector<16xi32> to vector<1xi32>
    %squeeze3A_7 = vector.extract %slice3A_6[0] : i32 from vector<1xi32>
    %shift_right_arithmetic3A = arith.constant 7 : i32
    %shift_right_arithmetic3A_8 = arith.shrsi %squeeze3A, %shift_right_arithmetic3A : i32
    %mul3A_9 = arith.constant 128 : i32
    %mul3A_10 = arith.muli %shift_right_arithmetic3A_8, %mul3A_9 : i32
    %dma_start3A = arith.constant 0 : i32
    %dma_start3A_11 = tpu.memref_slice %arg4[%dma_start3A, %mul3A_10] : memref<16x1000000xf32, #tpu.memory_space<hbm>> -> memref<16x128xf32, #tpu.memory_space<hbm>>
    %dma_start3A_12 = arith.constant 0 : i32
    %dma_start3A_13 = tpu.memref_slice %arg4[%dma_start3A_12, %mul3A_10] : memref<16x1000000xf32, #tpu.memory_space<hbm>> -> memref<16x128xf32, #tpu.memory_space<hbm>>
    tpu.enqueue_dma source(%dma_start3A_13 : memref<16x128xf32, #tpu.memory_space<hbm>>) target(%arg17 : memref<16x128xf32, #tpu.memory_space<vmem>>) target_semaphore(%arg15 : memref<!tpu.dma_semaphore, #tpu.memory_space<semaphore_mem>>)
    %shift_right_arithmetic3A_14 = arith.constant 7 : i32
    %shift_right_arithmetic3A_15 = arith.shrsi %squeeze3A_7, %shift_right_arithmetic3A_14 : i32
    %mul3A_16 = arith.constant 128 : i32
    %mul3A_17 = arith.muli %shift_right_arithmetic3A_15, %mul3A_16 : i32
    %dma_start3A_18 = arith.constant 0 : i32
    %dma_start3A_19 = tpu.memref_slice %arg5[%dma_start3A_18, %mul3A_17] : memref<16x1000000xf32, #tpu.memory_space<hbm>> -> memref<16x128xf32, #tpu.memory_space<hbm>>
    %dma_start3A_20 = arith.constant 0 : i32
    %dma_start3A_21 = tpu.memref_slice %arg5[%dma_start3A_20, %mul3A_17] : memref<16x1000000xf32, #tpu.memory_space<hbm>> -> memref<16x128xf32, #tpu.memory_space<hbm>>
    tpu.enqueue_dma source(%dma_start3A_21 : memref<16x128xf32, #tpu.memory_space<hbm>>) target(%arg33 : memref<16x128xf32, #tpu.memory_space<vmem>>) target_semaphore(%arg15 : memref<!tpu.dma_semaphore, #tpu.memory_space<semaphore_mem>>)
    %slice3A_22 = vector.extract_strided_slice %get3A_3 {offsets = [1], sizes = [1], strides = [1]} : vector<16xi32> to vector<1xi32>
    %squeeze3A_23 = vector.extract %slice3A_22[0] : i32 from vector<1xi32>
    %slice3A_24 = vector.extract_strided_slice %get3A_5 {offsets = [1], sizes = [1], strides = [1]} : vector<16xi32> to vector<1xi32>
    %squeeze3A_25 = vector.extract %slice3A_24[0] : i32 from vector<1xi32>
    %shift_right_arithmetic3A_26 = arith.constant 7 : i32
    %shift_right_arithmetic3A_27 = arith.shrsi %squeeze3A_23, %shift_right_arithmetic3A_26 : i32
    %mul3A_28 = arith.constant 128 : i32
    %mul3A_29 = arith.muli %shift_right_arithmetic3A_27, %mul3A_28 : i32
    %dma_start3A_30 = arith.constant 0 : i32
    %dma_start3A_31 = tpu.memref_slice %arg4[%dma_start3A_30, %mul3A_29] : memref<16x1000000xf32, #tpu.memory_space<hbm>> -> memref<16x128xf32, #tpu.memory_space<hbm>>
    %dma_start3A_32 = arith.constant 0 : i32
    %dma_start3A_33 = tpu.memref_slice %arg4[%dma_start3A_32, %mul3A_29] : memref<16x1000000xf32, #tpu.memory_space<hbm>> -> memref<16x128xf32, #tpu.memory_space<hbm>>
    tpu.enqueue_dma source(%dma_start3A_33 : memref<16x128xf32, #tpu.memory_space<hbm>>) target(%arg18 : memref<16x128xf32, #tpu.memory_space<vmem>>) target_semaphore(%arg15 : memref<!tpu.dma_semaphore, #tpu.memory_space<semaphore_mem>>)
    %shift_right_arithmetic3A_34 = arith.constant 7 : i32
    %shift_right_arithmetic3A_35 = arith.shrsi %squeeze3A_25, %shift_right_arithmetic3A_34 : i32
    %mul3A_36 = arith.constant 128 : i32
    %mul3A_37 = arith.muli %shift_right_arithmetic3A_35, %mul3A_36 : i32
    %dma_start3A_38 = arith.constant 0 : i32
    %dma_start3A_39 = tpu.memref_slice %arg5[%dma_start3A_38, %mul3A_37] : memref<16x1000000xf32, #tpu.memory_space<hbm>> -> memref<16x128xf32, #tpu.memory_space<hbm>>
    %dma_start3A_40 = arith.constant 0 : i32
    %dma_start3A_41 = tpu.memref_slice %arg5[%dma_start3A_40, %mul3A_37] : memref<16x1000000xf32, #tpu.memory_space<hbm>> -> memref<16x128xf32, #tpu.memory_space<hbm>>
    tpu.enqueue_dma source(%dma_start3A_41 : memref<16x128xf32, #tpu.memory_space<hbm>>) target(%arg34 : memref<16x128xf32, #tpu.memory_space<vmem>>) target_semaphore(%arg15 : memref<!tpu.dma_semaphore, #tpu.memory_space<semaphore_mem>>)
    %slice3A_42 = vector.extract_strided_slice %get3A_3 {offsets = [2], sizes = [1], strides = [1]} : vector<16xi32> to vector<1xi32>
    %squeeze3A_43 = vector.extract %slice3A_42[0] : i32 from vector<1xi32>
    %slice3A_44 = vector.extract_strided_slice %get3A_5 {offsets = [2], sizes = [1], strides = [1]} : vector<16xi32> to vector<1xi32>
    %squeeze3A_45 = vector.extract %slice3A_44[0] : i32 from vector<1xi32>
    %shift_right_arithmetic3A_46 = arith.constant 7 : i32
    %shift_right_arithmetic3A_47 = arith.shrsi %squeeze3A_43, %shift_right_arithmetic3A_46 : i32
    %mul3A_48 = arith.constant 128 : i32
    %mul3A_49 = arith.muli %shift_right_arithmetic3A_47, %mul3A_48 : i32
    %dma_start3A_50 = arith.constant 0 : i32
    %dma_start3A_51 = tpu.memref_slice %arg4[%dma_start3A_50, %mul3A_49] : memref<16x1000000xf32, #tpu.memory_space<hbm>> -> memref<16x128xf32, #tpu.memory_space<hbm>>
    %dma_start3A_52 = arith.constant 0 : i32
    %dma_start3A_53 = tpu.memref_slice %arg4[%dma_start3A_52, %mul3A_49] : memref<16x1000000xf32, #tpu.memory_space<hbm>> -> memref<16x128xf32, #tpu.memory_space<hbm>>
    tpu.enqueue_dma source(%dma_start3A_53 : memref<16x128xf32, #tpu.memory_space<hbm>>) target(%arg19 : memref<16x128xf32, #tpu.memory_space<vmem>>) target_semaphore(%arg15 : memref<!tpu.dma_semaphore, #tpu.memory_space<semaphore_mem>>)
    %shift_right_arithmetic3A_54 = arith.constant 7 : i32
    %shift_right_arithmetic3A_55 = arith.shrsi %squeeze3A_45, %shift_right_arithmetic3A_54 : i32
    %mul3A_56 = arith.constant 128 : i32
    %mul3A_57 = arith.muli %shift_right_arithmetic3A_55, %mul3A_56 : i32
    %dma_start3A_58 = arith.constant 0 : i32
    %dma_start3A_59 = tpu.memref_slice %arg5[%dma_start3A_58, %mul3A_57] : memref<16x1000000xf32, #tpu.memory_space<hbm>> -> memref<16x128xf32, #tpu.memory_space<hbm>>
    %dma_start3A_60 = arith.constant 0 : i32
    %dma_start3A_61 = tpu.memref_slice %arg5[%dma_start3A_60, %mul3A_57] : memref<16x1000000xf32, #tpu.memory_space<hbm>> -> memref<16x128xf32, #tpu.memory_space<hbm>>
    tpu.enqueue_dma source(%dma_start3A_61 : memref<16x128xf32, #tpu.memory_space<hbm>>) target(%arg35 : memref<16x128xf32, #tpu.memory_space<vmem>>) target_semaphore(%arg15 : memref<!tpu.dma_semaphore, #tpu.memory_space<semaphore_mem>>)
    %slice3A_62 = vector.extract_strided_slice %get3A_3 {offsets = [3], sizes = [1], strides = [1]} : vector<16xi32> to vector<1xi32>
    %squeeze3A_63 = vector.extract %slice3A_62[0] : i32 from vector<1xi32>
    %slice3A_64 = vector.extract_strided_slice %get3A_5 {offsets = [3], sizes = [1], strides = [1]} : vector<16xi32> to vector<1xi32>
    %squeeze3A_65 = vector.extract %slice3A_64[0] : i32 from vector<1xi32>
    %shift_right_arithmetic3A_66 = arith.constant 7 : i32
    %shift_right_arithmetic3A_67 = arith.shrsi %squeeze3A_63, %shift_right_arithmetic3A_66 : i32
    %mul3A_68 = arith.constant 128 : i32
    %mul3A_69 = arith.muli %shift_right_arithmetic3A_67, %mul3A_68 : i32
    %dma_start3A_70 = arith.constant 0 : i32
    %dma_start3A_71 = tpu.memref_slice %arg4[%dma_start3A_70, %mul3A_69] : memref<16x1000000xf32, #tpu.memory_space<hbm>> -> memref<16x128xf32, #tpu.memory_space<hbm>>
    %dma_start3A_72 = arith.constant 0 : i32
    %dma_start3A_73 = tpu.memref_slice %arg4[%dma_start3A_72, %mul3A_69] : memref<16x1000000xf32, #tpu.memory_space<hbm>> -> memref<16x128xf32, #tpu.memory_space<hbm>>
    tpu.enqueue_dma source(%dma_start3A_73 : memref<16x128xf32, #tpu.memory_space<hbm>>) target(%arg20 : memref<16x128xf32, #tpu.memory_space<vmem>>) target_semaphore(%arg15 : memref<!tpu.dma_semaphore, #tpu.memory_space<semaphore_mem>>)
    %shift_right_arithmetic3A_74 = arith.constant 7 : i32
    %shift_right_arithmetic3A_75 = arith.shrsi %squeeze3A_65, %shift_right_arithmetic3A_74 : i32
    %mul3A_76 = arith.constant 128 : i32
    %mul3A_77 = arith.muli %shift_right_arithmetic3A_75, %mul3A_76 : i32
    %dma_start3A_78 = arith.constant 0 : i32
    %dma_start3A_79 = tpu.memref_slice %arg5[%dma_start3A_78, %mul3A_77] : memref<16x1000000xf32, #tpu.memory_space<hbm>> -> memref<16x128xf32, #tpu.memory_space<hbm>>
    %dma_start3A_80 = arith.constant 0 : i32
    %dma_start3A_81 = tpu.memref_slice %arg5[%dma_start3A_80, %mul3A_77] : memref<16x1000000xf32, #tpu.memory_space<hbm>> -> memref<16x128xf32, #tpu.memory_space<hbm>>
    tpu.enqueue_dma source(%dma_start3A_81 : memref<16x128xf32, #tpu.memory_space<hbm>>) target(%arg36 : memref<16x128xf32, #tpu.memory_space<vmem>>) target_semaphore(%arg15 : memref<!tpu.dma_semaphore, #tpu.memory_space<semaphore_mem>>)
    %slice3A_82 = vector.extract_strided_slice %get3A_3 {offsets = [4], sizes = [1], strides = [1]} : vector<16xi32> to vector<1xi32>
    %squeeze3A_83 = vector.extract %slice3A_82[0] : i32 from vector<1xi32>
    %slice3A_84 = vector.extract_strided_slice %get3A_5 {offsets = [4], sizes = [1], strides = [1]} : vector<16xi32> to vector<1xi32>
    %squeeze3A_85 = vector.extract %slice3A_84[0] : i32 from vector<1xi32>
    %shift_right_arithmetic3A_86 = arith.constant 7 : i32
    %shift_right_arithmetic3A_87 = arith.shrsi %squeeze3A_83, %shift_right_arithmetic3A_86 : i32
    %mul3A_88 = arith.constant 128 : i32
    %mul3A_89 = arith.muli %shift_right_arithmetic3A_87, %mul3A_88 : i32
    %dma_start3A_90 = arith.constant 0 : i32
    %dma_start3A_91 = tpu.memref_slice %arg4[%dma_start3A_90, %mul3A_89] : memref<16x1000000xf32, #tpu.memory_space<hbm>> -> memref<16x128xf32, #tpu.memory_space<hbm>>
    %dma_start3A_92 = arith.constant 0 : i32
    %dma_start3A_93 = tpu.memref_slice %arg4[%dma_start3A_92, %mul3A_89] : memref<16x1000000xf32, #tpu.memory_space<hbm>> -> memref<16x128xf32, #tpu.memory_space<hbm>>
    tpu.enqueue_dma source(%dma_start3A_93 : memref<16x128xf32, #tpu.memory_space<hbm>>) target(%arg21 : memref<16x128xf32, #tpu.memory_space<vmem>>) target_semaphore(%arg15 : memref<!tpu.dma_semaphore, #tpu.memory_space<semaphore_mem>>)
    %shift_right_arithmetic3A_94 = arith.constant 7 : i32
    %shift_right_arithmetic3A_95 = arith.shrsi %squeeze3A_85, %shift_right_arithmetic3A_94 : i32
    %mul3A_96 = arith.constant 128 : i32
    %mul3A_97 = arith.muli %shift_right_arithmetic3A_95, %mul3A_96 : i32
    %dma_start3A_98 = arith.constant 0 : i32
    %dma_start3A_99 = tpu.memref_slice %arg5[%dma_start3A_98, %mul3A_97] : memref<16x1000000xf32, #tpu.memory_space<hbm>> -> memref<16x128xf32, #tpu.memory_space<hbm>>
    %dma_start3A_100 = arith.constant 0 : i32
    %dma_start3A_101 = tpu.memref_slice %arg5[%dma_start3A_100, %mul3A_97] : memref<16x1000000xf32, #tpu.memory_space<hbm>> -> memref<16x128xf32, #tpu.memory_space<hbm>>
    tpu.enqueue_dma source(%dma_start3A_101 : memref<16x128xf32, #tpu.memory_space<hbm>>) target(%arg37 : memref<16x128xf32, #tpu.memory_space<vmem>>) target_semaphore(%arg15 : memref<!tpu.dma_semaphore, #tpu.memory_space<semaphore_mem>>)
    %slice3A_102 = vector.extract_strided_slice %get3A_3 {offsets = [5], sizes = [1], strides = [1]} : vector<16xi32> to vector<1xi32>
    %squeeze3A_103 = vector.extract %slice3A_102[0] : i32 from vector<1xi32>
    %slice3A_104 = vector.extract_strided_slice %get3A_5 {offsets = [5], sizes = [1], strides = [1]} : vector<16xi32> to vector<1xi32>
    %squeeze3A_105 = vector.extract %slice3A_104[0] : i32 from vector<1xi32>
    %shift_right_arithmetic3A_106 = arith.constant 7 : i32
    %shift_right_arithmetic3A_107 = arith.shrsi %squeeze3A_103, %shift_right_arithmetic3A_106 : i32
    %mul3A_108 = arith.constant 128 : i32
    %mul3A_109 = arith.muli %shift_right_arithmetic3A_107, %mul3A_108 : i32
    %dma_start3A_110 = arith.constant 0 : i32
    %dma_start3A_111 = tpu.memref_slice %arg4[%dma_start3A_110, %mul3A_109] : memref<16x1000000xf32, #tpu.memory_space<hbm>> -> memref<16x128xf32, #tpu.memory_space<hbm>>
    %dma_start3A_112 = arith.constant 0 : i32
    %dma_start3A_113 = tpu.memref_slice %arg4[%dma_start3A_112, %mul3A_109] : memref<16x1000000xf32, #tpu.memory_space<hbm>> -> memref<16x128xf32, #tpu.memory_space<hbm>>
    tpu.enqueue_dma source(%dma_start3A_113 : memref<16x128xf32, #tpu.memory_space<hbm>>) target(%arg22 : memref<16x128xf32, #tpu.memory_space<vmem>>) target_semaphore(%arg15 : memref<!tpu.dma_semaphore, #tpu.memory_space<semaphore_mem>>)
    %shift_right_arithmetic3A_114 = arith.constant 7 : i32
    %shift_right_arithmetic3A_115 = arith.shrsi %squeeze3A_105, %shift_right_arithmetic3A_114 : i32
    %mul3A_116 = arith.constant 128 : i32
    %mul3A_117 = arith.muli %shift_right_arithmetic3A_115, %mul3A_116 : i32
    %dma_start3A_118 = arith.constant 0 : i32
    %dma_start3A_119 = tpu.memref_slice %arg5[%dma_start3A_118, %mul3A_117] : memref<16x1000000xf32, #tpu.memory_space<hbm>> -> memref<16x128xf32, #tpu.memory_space<hbm>>
    %dma_start3A_120 = arith.constant 0 : i32
    %dma_start3A_121 = tpu.memref_slice %arg5[%dma_start3A_120, %mul3A_117] : memref<16x1000000xf32, #tpu.memory_space<hbm>> -> memref<16x128xf32, #tpu.memory_space<hbm>>
    tpu.enqueue_dma source(%dma_start3A_121 : memref<16x128xf32, #tpu.memory_space<hbm>>) target(%arg38 : memref<16x128xf32, #tpu.memory_space<vmem>>) target_semaphore(%arg15 : memref<!tpu.dma_semaphore, #tpu.memory_space<semaphore_mem>>)
    %slice3A_122 = vector.extract_strided_slice %get3A_3 {offsets = [6], sizes = [1], strides = [1]} : vector<16xi32> to vector<1xi32>
    %squeeze3A_123 = vector.extract %slice3A_122[0] : i32 from vector<1xi32>
    %slice3A_124 = vector.extract_strided_slice %get3A_5 {offsets = [6], sizes = [1], strides = [1]} : vector<16xi32> to vector<1xi32>
    %squeeze3A_125 = vector.extract %slice3A_124[0] : i32 from vector<1xi32>
    %shift_right_arithmetic3A_126 = arith.constant 7 : i32
    %shift_right_arithmetic3A_127 = arith.shrsi %squeeze3A_123, %shift_right_arithmetic3A_126 : i32
    %mul3A_128 = arith.constant 128 : i32
    %mul3A_129 = arith.muli %shift_right_arithmetic3A_127, %mul3A_128 : i32
    %dma_start3A_130 = arith.constant 0 : i32
    %dma_start3A_131 = tpu.memref_slice %arg4[%dma_start3A_130, %mul3A_129] : memref<16x1000000xf32, #tpu.memory_space<hbm>> -> memref<16x128xf32, #tpu.memory_space<hbm>>
    %dma_start3A_132 = arith.constant 0 : i32
    %dma_start3A_133 = tpu.memref_slice %arg4[%dma_start3A_132, %mul3A_129] : memref<16x1000000xf32, #tpu.memory_space<hbm>> -> memref<16x128xf32, #tpu.memory_space<hbm>>
    tpu.enqueue_dma source(%dma_start3A_133 : memref<16x128xf32, #tpu.memory_space<hbm>>) target(%arg23 : memref<16x128xf32, #tpu.memory_space<vmem>>) target_semaphore(%arg15 : memref<!tpu.dma_semaphore, #tpu.memory_space<semaphore_mem>>)
    %shift_right_arithmetic3A_134 = arith.constant 7 : i32
    %shift_right_arithmetic3A_135 = arith.shrsi %squeeze3A_125, %shift_right_arithmetic3A_134 : i32
    %mul3A_136 = arith.constant 128 : i32
    %mul3A_137 = arith.muli %shift_right_arithmetic3A_135, %mul3A_136 : i32
    %dma_start3A_138 = arith.constant 0 : i32
    %dma_start3A_139 = tpu.memref_slice %arg5[%dma_start3A_138, %mul3A_137] : memref<16x1000000xf32, #tpu.memory_space<hbm>> -> memref<16x128xf32, #tpu.memory_space<hbm>>
    %dma_start3A_140 = arith.constant 0 : i32
    %dma_start3A_141 = tpu.memref_slice %arg5[%dma_start3A_140, %mul3A_137] : memref<16x1000000xf32, #tpu.memory_space<hbm>> -> memref<16x128xf32, #tpu.memory_space<hbm>>
    tpu.enqueue_dma source(%dma_start3A_141 : memref<16x128xf32, #tpu.memory_space<hbm>>) target(%arg39 : memref<16x128xf32, #tpu.memory_space<vmem>>) target_semaphore(%arg15 : memref<!tpu.dma_semaphore, #tpu.memory_space<semaphore_mem>>)
    %slice3A_142 = vector.extract_strided_slice %get3A_3 {offsets = [7], sizes = [1], strides = [1]} : vector<16xi32> to vector<1xi32>
    %squeeze3A_143 = vector.extract %slice3A_142[0] : i32 from vector<1xi32>
    %slice3A_144 = vector.extract_strided_slice %get3A_5 {offsets = [7], sizes = [1], strides = [1]} : vector<16xi32> to vector<1xi32>
    %squeeze3A_145 = vector.extract %slice3A_144[0] : i32 from vector<1xi32>
    %shift_right_arithmetic3A_146 = arith.constant 7 : i32
    %shift_right_arithmetic3A_147 = arith.shrsi %squeeze3A_143, %shift_right_arithmetic3A_146 : i32
    %mul3A_148 = arith.constant 128 : i32
    %mul3A_149 = arith.muli %shift_right_arithmetic3A_147, %mul3A_148 : i32
    %dma_start3A_150 = arith.constant 0 : i32
    %dma_start3A_151 = tpu.memref_slice %arg4[%dma_start3A_150, %mul3A_149] : memref<16x1000000xf32, #tpu.memory_space<hbm>> -> memref<16x128xf32, #tpu.memory_space<hbm>>
    %dma_start3A_152 = arith.constant 0 : i32
    %dma_start3A_153 = tpu.memref_slice %arg4[%dma_start3A_152, %mul3A_149] : memref<16x1000000xf32, #tpu.memory_space<hbm>> -> memref<16x128xf32, #tpu.memory_space<hbm>>
    tpu.enqueue_dma source(%dma_start3A_153 : memref<16x128xf32, #tpu.memory_space<hbm>>) target(%arg24 : memref<16x128xf32, #tpu.memory_space<vmem>>) target_semaphore(%arg15 : memref<!tpu.dma_semaphore, #tpu.memory_space<semaphore_mem>>)
    %shift_right_arithmetic3A_154 = arith.constant 7 : i32
    %shift_right_arithmetic3A_155 = arith.shrsi %squeeze3A_145, %shift_right_arithmetic3A_154 : i32
    %mul3A_156 = arith.constant 128 : i32
    %mul3A_157 = arith.muli %shift_right_arithmetic3A_155, %mul3A_156 : i32
    %dma_start3A_158 = arith.constant 0 : i32
    %dma_start3A_159 = tpu.memref_slice %arg5[%dma_start3A_158, %mul3A_157] : memref<16x1000000xf32, #tpu.memory_space<hbm>> -> memref<16x128xf32, #tpu.memory_space<hbm>>
    %dma_start3A_160 = arith.constant 0 : i32
    %dma_start3A_161 = tpu.memref_slice %arg5[%dma_start3A_160, %mul3A_157] : memref<16x1000000xf32, #tpu.memory_space<hbm>> -> memref<16x128xf32, #tpu.memory_space<hbm>>
    tpu.enqueue_dma source(%dma_start3A_161 : memref<16x128xf32, #tpu.memory_space<hbm>>) target(%arg40 : memref<16x128xf32, #tpu.memory_space<vmem>>) target_semaphore(%arg15 : memref<!tpu.dma_semaphore, #tpu.memory_space<semaphore_mem>>)
    %scan3A = arith.constant 0 : i32
    %scan3A_162 = arith.constant 0 : i32
    %scan3A_163 = arith.constant 32 : i32
    %scan3A_164 = arith.addi %scan3A_162, %scan3A_163 : i32
    %scan3A_165 = arith.constant 1 : i32
    scf.for %scan3A_177 = %scan3A_162 to %scan3A_164 step %scan3A_165  : i32 {
      %mul3A_178 = arith.constant 16 : i32
      %mul3A_179 = arith.muli %scan3A_177, %mul3A_178 : i32
      %get3A_180 = arith.index_cast %mul3A_179 : i32 to index
      %get3A_181 = tpu.vector_load %arg9[%get3A_180] {strides = array<i32>} : memref<512xi32, #tpu.memory_space<vmem>>, vector<16xi32>,
      %mul3A_182 = arith.constant 16 : i32
      %mul3A_183 = arith.muli %scan3A_177, %mul3A_182 : i32
      %get3A_184 = arith.index_cast %mul3A_183 : i32 to index
      %get3A_185 = tpu.vector_load %arg10[%get3A_184] {strides = array<i32>} : memref<512xi32, #tpu.memory_space<vmem>>, vector<16xi32>,
      %slice3A_186 = vector.extract_strided_slice %get3A_181 {offsets = [8], sizes = [1], strides = [1]} : vector<16xi32> to vector<1xi32>
      %squeeze3A_187 = vector.extract %slice3A_186[0] : i32 from vector<1xi32>
      %slice3A_188 = vector.extract_strided_slice %get3A_185 {offsets = [8], sizes = [1], strides = [1]} : vector<16xi32> to vector<1xi32>
      %squeeze3A_189 = vector.extract %slice3A_188[0] : i32 from vector<1xi32>
      %shift_right_arithmetic3A_190 = arith.constant 7 : i32
      %shift_right_arithmetic3A_191 = arith.shrsi %squeeze3A_187, %shift_right_arithmetic3A_190 : i32
      %mul3A_192 = arith.constant 128 : i32
      %mul3A_193 = arith.muli %shift_right_arithmetic3A_191, %mul3A_192 : i32
      %dma_start3A_194 = arith.constant 0 : i32
      %dma_start3A_195 = tpu.memref_slice %arg4[%dma_start3A_194, %mul3A_193] : memref<16x1000000xf32, #tpu.memory_space<hbm>> -> memref<16x128xf32, #tpu.memory_space<hbm>>
      %dma_start3A_196 = arith.constant 0 : i32
      %dma_start3A_197 = tpu.memref_slice %arg4[%dma_start3A_196, %mul3A_193] : memref<16x1000000xf32, #tpu.memory_space<hbm>> -> memref<16x128xf32, #tpu.memory_space<hbm>>
      tpu.enqueue_dma source(%dma_start3A_197 : memref<16x128xf32, #tpu.memory_space<hbm>>) target(%arg25 : memref<16x128xf32, #tpu.memory_space<vmem>>) target_semaphore(%arg16 : memref<!tpu.dma_semaphore, #tpu.memory_space<semaphore_mem>>)
      %shift_right_arithmetic3A_198 = arith.constant 7 : i32
      %shift_right_arithmetic3A_199 = arith.shrsi %squeeze3A_189, %shift_right_arithmetic3A_198 : i32
      %mul3A_200 = arith.constant 128 : i32
      %mul3A_201 = arith.muli %shift_right_arithmetic3A_199, %mul3A_200 : i32
      %dma_start3A_202 = arith.constant 0 : i32
      %dma_start3A_203 = tpu.memref_slice %arg5[%dma_start3A_202, %mul3A_201] : memref<16x1000000xf32, #tpu.memory_space<hbm>> -> memref<16x128xf32, #tpu.memory_space<hbm>>
      %dma_start3A_204 = arith.constant 0 : i32
      %dma_start3A_205 = tpu.memref_slice %arg5[%dma_start3A_204, %mul3A_201] : memref<16x1000000xf32, #tpu.memory_space<hbm>> -> memref<16x128xf32, #tpu.memory_space<hbm>>
      tpu.enqueue_dma source(%dma_start3A_205 : memref<16x128xf32, #tpu.memory_space<hbm>>) target(%arg41 : memref<16x128xf32, #tpu.memory_space<vmem>>) target_semaphore(%arg16 : memref<!tpu.dma_semaphore, #tpu.memory_space<semaphore_mem>>)
      %slice3A_206 = vector.extract_strided_slice %get3A_181 {offsets = [9], sizes = [1], strides = [1]} : vector<16xi32> to vector<1xi32>
      %squeeze3A_207 = vector.extract %slice3A_206[0] : i32 from vector<1xi32>
      %slice3A_208 = vector.extract_strided_slice %get3A_185 {offsets = [9], sizes = [1], strides = [1]} : vector<16xi32> to vector<1xi32>
      %squeeze3A_209 = vector.extract %slice3A_208[0] : i32 from vector<1xi32>
      %shift_right_arithmetic3A_210 = arith.constant 7 : i32
      %shift_right_arithmetic3A_211 = arith.shrsi %squeeze3A_207, %shift_right_arithmetic3A_210 : i32
      %mul3A_212 = arith.constant 128 : i32
      %mul3A_213 = arith.muli %shift_right_arithmetic3A_211, %mul3A_212 : i32
      %dma_start3A_214 = arith.constant 0 : i32
      %dma_start3A_215 = tpu.memref_slice %arg4[%dma_start3A_214, %mul3A_213] : memref<16x1000000xf32, #tpu.memory_space<hbm>> -> memref<16x128xf32, #tpu.memory_space<hbm>>
      %dma_start3A_216 = arith.constant 0 : i32
      %dma_start3A_217 = tpu.memref_slice %arg4[%dma_start3A_216, %mul3A_213] : memref<16x1000000xf32, #tpu.memory_space<hbm>> -> memref<16x128xf32, #tpu.memory_space<hbm>>
      tpu.enqueue_dma source(%dma_start3A_217 : memref<16x128xf32, #tpu.memory_space<hbm>>) target(%arg26 : memref<16x128xf32, #tpu.memory_space<vmem>>) target_semaphore(%arg16 : memref<!tpu.dma_semaphore, #tpu.memory_space<semaphore_mem>>)
      %shift_right_arithmetic3A_218 = arith.constant 7 : i32
      %shift_right_arithmetic3A_219 = arith.shrsi %squeeze3A_209, %shift_right_arithmetic3A_218 : i32
      %mul3A_220 = arith.constant 128 : i32
      %mul3A_221 = arith.muli %shift_right_arithmetic3A_219, %mul3A_220 : i32
      %dma_start3A_222 = arith.constant 0 : i32
      %dma_start3A_223 = tpu.memref_slice %arg5[%dma_start3A_222, %mul3A_221] : memref<16x1000000xf32, #tpu.memory_space<hbm>> -> memref<16x128xf32, #tpu.memory_space<hbm>>
      %dma_start3A_224 = arith.constant 0 : i32
      %dma_start3A_225 = tpu.memref_slice %arg5[%dma_start3A_224, %mul3A_221] : memref<16x1000000xf32, #tpu.memory_space<hbm>> -> memref<16x128xf32, #tpu.memory_space<hbm>>
      tpu.enqueue_dma source(%dma_start3A_225 : memref<16x128xf32, #tpu.memory_space<hbm>>) target(%arg42 : memref<16x128xf32, #tpu.memory_space<vmem>>) target_semaphore(%arg16 : memref<!tpu.dma_semaphore, #tpu.memory_space<semaphore_mem>>)
      %slice3A_226 = vector.extract_strided_slice %get3A_181 {offsets = [10], sizes = [1], strides = [1]} : vector<16xi32> to vector<1xi32>
      %squeeze3A_227 = vector.extract %slice3A_226[0] : i32 from vector<1xi32>
      %slice3A_228 = vector.extract_strided_slice %get3A_185 {offsets = [10], sizes = [1], strides = [1]} : vector<16xi32> to vector<1xi32>
      %squeeze3A_229 = vector.extract %slice3A_228[0] : i32 from vector<1xi32>
      %shift_right_arithmetic3A_230 = arith.constant 7 : i32
      %shift_right_arithmetic3A_231 = arith.shrsi %squeeze3A_227, %shift_right_arithmetic3A_230 : i32
      %mul3A_232 = arith.constant 128 : i32
      %mul3A_233 = arith.muli %shift_right_arithmetic3A_231, %mul3A_232 : i32
      %dma_start3A_234 = arith.constant 0 : i32
      %dma_start3A_235 = tpu.memref_slice %arg4[%dma_start3A_234, %mul3A_233] : memref<16x1000000xf32, #tpu.memory_space<hbm>> -> memref<16x128xf32, #tpu.memory_space<hbm>>
      %dma_start3A_236 = arith.constant 0 : i32
      %dma_start3A_237 = tpu.memref_slice %arg4[%dma_start3A_236, %mul3A_233] : memref<16x1000000xf32, #tpu.memory_space<hbm>> -> memref<16x128xf32, #tpu.memory_space<hbm>>
      tpu.enqueue_dma source(%dma_start3A_237 : memref<16x128xf32, #tpu.memory_space<hbm>>) target(%arg27 : memref<16x128xf32, #tpu.memory_space<vmem>>) target_semaphore(%arg16 : memref<!tpu.dma_semaphore, #tpu.memory_space<semaphore_mem>>)
      %shift_right_arithmetic3A_238 = arith.constant 7 : i32
      %shift_right_arithmetic3A_239 = arith.shrsi %squeeze3A_229, %shift_right_arithmetic3A_238 : i32
      %mul3A_240 = arith.constant 128 : i32
      %mul3A_241 = arith.muli %shift_right_arithmetic3A_239, %mul3A_240 : i32
      %dma_start3A_242 = arith.constant 0 : i32
      %dma_start3A_243 = tpu.memref_slice %arg5[%dma_start3A_242, %mul3A_241] : memref<16x1000000xf32, #tpu.memory_space<hbm>> -> memref<16x128xf32, #tpu.memory_space<hbm>>
      %dma_start3A_244 = arith.constant 0 : i32
      %dma_start3A_245 = tpu.memref_slice %arg5[%dma_start3A_244, %mul3A_241] : memref<16x1000000xf32, #tpu.memory_space<hbm>> -> memref<16x128xf32, #tpu.memory_space<hbm>>
      tpu.enqueue_dma source(%dma_start3A_245 : memref<16x128xf32, #tpu.memory_space<hbm>>) target(%arg43 : memref<16x128xf32, #tpu.memory_space<vmem>>) target_semaphore(%arg16 : memref<!tpu.dma_semaphore, #tpu.memory_space<semaphore_mem>>)
      %slice3A_246 = vector.extract_strided_slice %get3A_181 {offsets = [11], sizes = [1], strides = [1]} : vector<16xi32> to vector<1xi32>
      %squeeze3A_247 = vector.extract %slice3A_246[0] : i32 from vector<1xi32>
      %slice3A_248 = vector.extract_strided_slice %get3A_185 {offsets = [11], sizes = [1], strides = [1]} : vector<16xi32> to vector<1xi32>
      %squeeze3A_249 = vector.extract %slice3A_248[0] : i32 from vector<1xi32>
      %shift_right_arithmetic3A_250 = arith.constant 7 : i32
      %shift_right_arithmetic3A_251 = arith.shrsi %squeeze3A_247, %shift_right_arithmetic3A_250 : i32
      %mul3A_252 = arith.constant 128 : i32
      %mul3A_253 = arith.muli %shift_right_arithmetic3A_251, %mul3A_252 : i32
      %dma_start3A_254 = arith.constant 0 : i32
      %dma_start3A_255 = tpu.memref_slice %arg4[%dma_start3A_254, %mul3A_253] : memref<16x1000000xf32, #tpu.memory_space<hbm>> -> memref<16x128xf32, #tpu.memory_space<hbm>>
      %dma_start3A_256 = arith.constant 0 : i32
      %dma_start3A_257 = tpu.memref_slice %arg4[%dma_start3A_256, %mul3A_253] : memref<16x1000000xf32, #tpu.memory_space<hbm>> -> memref<16x128xf32, #tpu.memory_space<hbm>>
      tpu.enqueue_dma source(%dma_start3A_257 : memref<16x128xf32, #tpu.memory_space<hbm>>) target(%arg28 : memref<16x128xf32, #tpu.memory_space<vmem>>) target_semaphore(%arg16 : memref<!tpu.dma_semaphore, #tpu.memory_space<semaphore_mem>>)
      %shift_right_arithmetic3A_258 = arith.constant 7 : i32
      %shift_right_arithmetic3A_259 = arith.shrsi %squeeze3A_249, %shift_right_arithmetic3A_258 : i32
      %mul3A_260 = arith.constant 128 : i32
      %mul3A_261 = arith.muli %shift_right_arithmetic3A_259, %mul3A_260 : i32
      %dma_start3A_262 = arith.constant 0 : i32
      %dma_start3A_263 = tpu.memref_slice %arg5[%dma_start3A_262, %mul3A_261] : memref<16x1000000xf32, #tpu.memory_space<hbm>> -> memref<16x128xf32, #tpu.memory_space<hbm>>
      %dma_start3A_264 = arith.constant 0 : i32
      %dma_start3A_265 = tpu.memref_slice %arg5[%dma_start3A_264, %mul3A_261] : memref<16x1000000xf32, #tpu.memory_space<hbm>> -> memref<16x128xf32, #tpu.memory_space<hbm>>
      tpu.enqueue_dma source(%dma_start3A_265 : memref<16x128xf32, #tpu.memory_space<hbm>>) target(%arg44 : memref<16x128xf32, #tpu.memory_space<vmem>>) target_semaphore(%arg16 : memref<!tpu.dma_semaphore, #tpu.memory_space<semaphore_mem>>)
      %slice3A_266 = vector.extract_strided_slice %get3A_181 {offsets = [12], sizes = [1], strides = [1]} : vector<16xi32> to vector<1xi32>
      %squeeze3A_267 = vector.extract %slice3A_266[0] : i32 from vector<1xi32>
      %slice3A_268 = vector.extract_strided_slice %get3A_185 {offsets = [12], sizes = [1], strides = [1]} : vector<16xi32> to vector<1xi32>
      %squeeze3A_269 = vector.extract %slice3A_268[0] : i32 from vector<1xi32>
      %shift_right_arithmetic3A_270 = arith.constant 7 : i32
      %shift_right_arithmetic3A_271 = arith.shrsi %squeeze3A_267, %shift_right_arithmetic3A_270 : i32
      %mul3A_272 = arith.constant 128 : i32
      %mul3A_273 = arith.muli %shift_right_arithmetic3A_271, %mul3A_272 : i32
      %dma_start3A_274 = arith.constant 0 : i32
      %dma_start3A_275 = tpu.memref_slice %arg4[%dma_start3A_274, %mul3A_273] : memref<16x1000000xf32, #tpu.memory_space<hbm>> -> memref<16x128xf32, #tpu.memory_space<hbm>>
      %dma_start3A_276 = arith.constant 0 : i32
      %dma_start3A_277 = tpu.memref_slice %arg4[%dma_start3A_276, %mul3A_273] : memref<16x1000000xf32, #tpu.memory_space<hbm>> -> memref<16x128xf32, #tpu.memory_space<hbm>>
      tpu.enqueue_dma source(%dma_start3A_277 : memref<16x128xf32, #tpu.memory_space<hbm>>) target(%arg29 : memref<16x128xf32, #tpu.memory_space<vmem>>) target_semaphore(%arg16 : memref<!tpu.dma_semaphore, #tpu.memory_space<semaphore_mem>>)
      %shift_right_arithmetic3A_278 = arith.constant 7 : i32
      %shift_right_arithmetic3A_279 = arith.shrsi %squeeze3A_269, %shift_right_arithmetic3A_278 : i32
      %mul3A_280 = arith.constant 128 : i32
      %mul3A_281 = arith.muli %shift_right_arithmetic3A_279, %mul3A_280 : i32
      %dma_start3A_282 = arith.constant 0 : i32
      %dma_start3A_283 = tpu.memref_slice %arg5[%dma_start3A_282, %mul3A_281] : memref<16x1000000xf32, #tpu.memory_space<hbm>> -> memref<16x128xf32, #tpu.memory_space<hbm>>
      %dma_start3A_284 = arith.constant 0 : i32
      %dma_start3A_285 = tpu.memref_slice %arg5[%dma_start3A_284, %mul3A_281] : memref<16x1000000xf32, #tpu.memory_space<hbm>> -> memref<16x128xf32, #tpu.memory_space<hbm>>
      tpu.enqueue_dma source(%dma_start3A_285 : memref<16x128xf32, #tpu.memory_space<hbm>>) target(%arg45 : memref<16x128xf32, #tpu.memory_space<vmem>>) target_semaphore(%arg16 : memref<!tpu.dma_semaphore, #tpu.memory_space<semaphore_mem>>)
      %slice3A_286 = vector.extract_strided_slice %get3A_181 {offsets = [13], sizes = [1], strides = [1]} : vector<16xi32> to vector<1xi32>
      %squeeze3A_287 = vector.extract %slice3A_286[0] : i32 from vector<1xi32>
      %slice3A_288 = vector.extract_strided_slice %get3A_185 {offsets = [13], sizes = [1], strides = [1]} : vector<16xi32> to vector<1xi32>
      %squeeze3A_289 = vector.extract %slice3A_288[0] : i32 from vector<1xi32>
      %shift_right_arithmetic3A_290 = arith.constant 7 : i32
      %shift_right_arithmetic3A_291 = arith.shrsi %squeeze3A_287, %shift_right_arithmetic3A_290 : i32
      %mul3A_292 = arith.constant 128 : i32
      %mul3A_293 = arith.muli %shift_right_arithmetic3A_291, %mul3A_292 : i32
      %dma_start3A_294 = arith.constant 0 : i32
      %dma_start3A_295 = tpu.memref_slice %arg4[%dma_start3A_294, %mul3A_293] : memref<16x1000000xf32, #tpu.memory_space<hbm>> -> memref<16x128xf32, #tpu.memory_space<hbm>>
      %dma_start3A_296 = arith.constant 0 : i32
      %dma_start3A_297 = tpu.memref_slice %arg4[%dma_start3A_296, %mul3A_293] : memref<16x1000000xf32, #tpu.memory_space<hbm>> -> memref<16x128xf32, #tpu.memory_space<hbm>>
      tpu.enqueue_dma source(%dma_start3A_297 : memref<16x128xf32, #tpu.memory_space<hbm>>) target(%arg30 : memref<16x128xf32, #tpu.memory_space<vmem>>) target_semaphore(%arg16 : memref<!tpu.dma_semaphore, #tpu.memory_space<semaphore_mem>>)
      %shift_right_arithmetic3A_298 = arith.constant 7 : i32
      %shift_right_arithmetic3A_299 = arith.shrsi %squeeze3A_289, %shift_right_arithmetic3A_298 : i32
      %mul3A_300 = arith.constant 128 : i32
      %mul3A_301 = arith.muli %shift_right_arithmetic3A_299, %mul3A_300 : i32
      %dma_start3A_302 = arith.constant 0 : i32
      %dma_start3A_303 = tpu.memref_slice %arg5[%dma_start3A_302, %mul3A_301] : memref<16x1000000xf32, #tpu.memory_space<hbm>> -> memref<16x128xf32, #tpu.memory_space<hbm>>
      %dma_start3A_304 = arith.constant 0 : i32
      %dma_start3A_305 = tpu.memref_slice %arg5[%dma_start3A_304, %mul3A_301] : memref<16x1000000xf32, #tpu.memory_space<hbm>> -> memref<16x128xf32, #tpu.memory_space<hbm>>
      tpu.enqueue_dma source(%dma_start3A_305 : memref<16x128xf32, #tpu.memory_space<hbm>>) target(%arg46 : memref<16x128xf32, #tpu.memory_space<vmem>>) target_semaphore(%arg16 : memref<!tpu.dma_semaphore, #tpu.memory_space<semaphore_mem>>)
      %slice3A_306 = vector.extract_strided_slice %get3A_181 {offsets = [14], sizes = [1], strides = [1]} : vector<16xi32> to vector<1xi32>
      %squeeze3A_307 = vector.extract %slice3A_306[0] : i32 from vector<1xi32>
      %slice3A_308 = vector.extract_strided_slice %get3A_185 {offsets = [14], sizes = [1], strides = [1]} : vector<16xi32> to vector<1xi32>
      %squeeze3A_309 = vector.extract %slice3A_308[0] : i32 from vector<1xi32>
      %shift_right_arithmetic3A_310 = arith.constant 7 : i32
      %shift_right_arithmetic3A_311 = arith.shrsi %squeeze3A_307, %shift_right_arithmetic3A_310 : i32
      %mul3A_312 = arith.constant 128 : i32
      %mul3A_313 = arith.muli %shift_right_arithmetic3A_311, %mul3A_312 : i32
      %dma_start3A_314 = arith.constant 0 : i32
      %dma_start3A_315 = tpu.memref_slice %arg4[%dma_start3A_314, %mul3A_313] : memref<16x1000000xf32, #tpu.memory_space<hbm>> -> memref<16x128xf32, #tpu.memory_space<hbm>>
      %dma_start3A_316 = arith.constant 0 : i32
      %dma_start3A_317 = tpu.memref_slice %arg4[%dma_start3A_316, %mul3A_313] : memref<16x1000000xf32, #tpu.memory_space<hbm>> -> memref<16x128xf32, #tpu.memory_space<hbm>>
      tpu.enqueue_dma source(%dma_start3A_317 : memref<16x128xf32, #tpu.memory_space<hbm>>) target(%arg31 : memref<16x128xf32, #tpu.memory_space<vmem>>) target_semaphore(%arg16 : memref<!tpu.dma_semaphore, #tpu.memory_space<semaphore_mem>>)
      %shift_right_arithmetic3A_318 = arith.constant 7 : i32
      %shift_right_arithmetic3A_319 = arith.shrsi %squeeze3A_309, %shift_right_arithmetic3A_318 : i32
      %mul3A_320 = arith.constant 128 : i32
      %mul3A_321 = arith.muli %shift_right_arithmetic3A_319, %mul3A_320 : i32
      %dma_start3A_322 = arith.constant 0 : i32
      %dma_start3A_323 = tpu.memref_slice %arg5[%dma_start3A_322, %mul3A_321] : memref<16x1000000xf32, #tpu.memory_space<hbm>> -> memref<16x128xf32, #tpu.memory_space<hbm>>
      %dma_start3A_324 = arith.constant 0 : i32
      %dma_start3A_325 = tpu.memref_slice %arg5[%dma_start3A_324, %mul3A_321] : memref<16x1000000xf32, #tpu.memory_space<hbm>> -> memref<16x128xf32, #tpu.memory_space<hbm>>
      tpu.enqueue_dma source(%dma_start3A_325 : memref<16x128xf32, #tpu.memory_space<hbm>>) target(%arg47 : memref<16x128xf32, #tpu.memory_space<vmem>>) target_semaphore(%arg16 : memref<!tpu.dma_semaphore, #tpu.memory_space<semaphore_mem>>)
      %slice3A_326 = vector.extract_strided_slice %get3A_181 {offsets = [15], sizes = [1], strides = [1]} : vector<16xi32> to vector<1xi32>
      %squeeze3A_327 = vector.extract %slice3A_326[0] : i32 from vector<1xi32>
      %slice3A_328 = vector.extract_strided_slice %get3A_185 {offsets = [15], sizes = [1], strides = [1]} : vector<16xi32> to vector<1xi32>
      %squeeze3A_329 = vector.extract %slice3A_328[0] : i32 from vector<1xi32>
      %shift_right_arithmetic3A_330 = arith.constant 7 : i32
      %shift_right_arithmetic3A_331 = arith.shrsi %squeeze3A_327, %shift_right_arithmetic3A_330 : i32
      %mul3A_332 = arith.constant 128 : i32
      %mul3A_333 = arith.muli %shift_right_arithmetic3A_331, %mul3A_332 : i32
      %dma_start3A_334 = arith.constant 0 : i32
      %dma_start3A_335 = tpu.memref_slice %arg4[%dma_start3A_334, %mul3A_333] : memref<16x1000000xf32, #tpu.memory_space<hbm>> -> memref<16x128xf32, #tpu.memory_space<hbm>>
      %dma_start3A_336 = arith.constant 0 : i32
      %dma_start3A_337 = tpu.memref_slice %arg4[%dma_start3A_336, %mul3A_333] : memref<16x1000000xf32, #tpu.memory_space<hbm>> -> memref<16x128xf32, #tpu.memory_space<hbm>>
      tpu.enqueue_dma source(%dma_start3A_337 : memref<16x128xf32, #tpu.memory_space<hbm>>) target(%arg32 : memref<16x128xf32, #tpu.memory_space<vmem>>) target_semaphore(%arg16 : memref<!tpu.dma_semaphore, #tpu.memory_space<semaphore_mem>>)
      %shift_right_arithmetic3A_338 = arith.constant 7 : i32
      %shift_right_arithmetic3A_339 = arith.shrsi %squeeze3A_329, %shift_right_arithmetic3A_338 : i32
      %mul3A_340 = arith.constant 128 : i32
      %mul3A_341 = arith.muli %shift_right_arithmetic3A_339, %mul3A_340 : i32
      %dma_start3A_342 = arith.constant 0 : i32
      %dma_start3A_343 = tpu.memref_slice %arg5[%dma_start3A_342, %mul3A_341] : memref<16x1000000xf32, #tpu.memory_space<hbm>> -> memref<16x128xf32, #tpu.memory_space<hbm>>
      %dma_start3A_344 = arith.constant 0 : i32
      %dma_start3A_345 = tpu.memref_slice %arg5[%dma_start3A_344, %mul3A_341] : memref<16x1000000xf32, #tpu.memory_space<hbm>> -> memref<16x128xf32, #tpu.memory_space<hbm>>
      tpu.enqueue_dma source(%dma_start3A_345 : memref<16x128xf32, #tpu.memory_space<hbm>>) target(%arg48 : memref<16x128xf32, #tpu.memory_space<vmem>>) target_semaphore(%arg16 : memref<!tpu.dma_semaphore, #tpu.memory_space<semaphore_mem>>)
      %dma_wait3A = arith.constant 0 : i32
      %dma_wait3A_346 = arith.constant 0 : i32
      %dma_wait3A_347 = tpu.memref_slice %arg4[%dma_wait3A, %dma_wait3A_346] : memref<16x1000000xf32, #tpu.memory_space<hbm>> -> memref<16x128xf32, #tpu.memory_space<hbm>>
      %dma_wait3A_348 = arith.constant 0 : i32
      %dma_wait3A_349 = arith.constant 0 : i32
      %dma_wait3A_350 = tpu.memref_slice %arg4[%dma_wait3A_348, %dma_wait3A_349] : memref<16x1000000xf32, #tpu.memory_space<hbm>> -> memref<16x128xf32, #tpu.memory_space<hbm>>
      tpu.wait_dma2 semaphore(%arg15 : memref<!tpu.dma_semaphore, #tpu.memory_space<semaphore_mem>>) src(%dma_wait3A_350 : memref<16x128xf32, #tpu.memory_space<hbm>>) dst(%arg17 : memref<16x128xf32, #tpu.memory_space<vmem>>)
      %dma_wait3A_351 = arith.constant 0 : i32
      %dma_wait3A_352 = arith.constant 0 : i32
      %dma_wait3A_353 = tpu.memref_slice %arg5[%dma_wait3A_351, %dma_wait3A_352] : memref<16x1000000xf32, #tpu.memory_space<hbm>> -> memref<16x128xf32, #tpu.memory_space<hbm>>
      %dma_wait3A_354 = arith.constant 0 : i32
      %dma_wait3A_355 = arith.constant 0 : i32
      %dma_wait3A_356 = tpu.memref_slice %arg5[%dma_wait3A_354, %dma_wait3A_355] : memref<16x1000000xf32, #tpu.memory_space<hbm>> -> memref<16x128xf32, #tpu.memory_space<hbm>>
      tpu.wait_dma2 semaphore(%arg15 : memref<!tpu.dma_semaphore, #tpu.memory_space<semaphore_mem>>) src(%dma_wait3A_356 : memref<16x128xf32, #tpu.memory_space<hbm>>) dst(%arg33 : memref<16x128xf32, #tpu.memory_space<vmem>>)
      %dma_wait3A_357 = arith.constant 0 : i32
      %dma_wait3A_358 = arith.constant 0 : i32
      %dma_wait3A_359 = tpu.memref_slice %arg4[%dma_wait3A_357, %dma_wait3A_358] : memref<16x1000000xf32, #tpu.memory_space<hbm>> -> memref<16x128xf32, #tpu.memory_space<hbm>>
      %dma_wait3A_360 = arith.constant 0 : i32
      %dma_wait3A_361 = arith.constant 0 : i32
      %dma_wait3A_362 = tpu.memref_slice %arg4[%dma_wait3A_360, %dma_wait3A_361] : memref<16x1000000xf32, #tpu.memory_space<hbm>> -> memref<16x128xf32, #tpu.memory_space<hbm>>
      tpu.wait_dma2 semaphore(%arg15 : memref<!tpu.dma_semaphore, #tpu.memory_space<semaphore_mem>>) src(%dma_wait3A_362 : memref<16x128xf32, #tpu.memory_space<hbm>>) dst(%arg18 : memref<16x128xf32, #tpu.memory_space<vmem>>)
      %dma_wait3A_363 = arith.constant 0 : i32
      %dma_wait3A_364 = arith.constant 0 : i32
      %dma_wait3A_365 = tpu.memref_slice %arg5[%dma_wait3A_363, %dma_wait3A_364] : memref<16x1000000xf32, #tpu.memory_space<hbm>> -> memref<16x128xf32, #tpu.memory_space<hbm>>
      %dma_wait3A_366 = arith.constant 0 : i32
      %dma_wait3A_367 = arith.constant 0 : i32
      %dma_wait3A_368 = tpu.memref_slice %arg5[%dma_wait3A_366, %dma_wait3A_367] : memref<16x1000000xf32, #tpu.memory_space<hbm>> -> memref<16x128xf32, #tpu.memory_space<hbm>>
      tpu.wait_dma2 semaphore(%arg15 : memref<!tpu.dma_semaphore, #tpu.memory_space<semaphore_mem>>) src(%dma_wait3A_368 : memref<16x128xf32, #tpu.memory_space<hbm>>) dst(%arg34 : memref<16x128xf32, #tpu.memory_space<vmem>>)
      %dma_wait3A_369 = arith.constant 0 : i32
      %dma_wait3A_370 = arith.constant 0 : i32
      %dma_wait3A_371 = tpu.memref_slice %arg4[%dma_wait3A_369, %dma_wait3A_370] : memref<16x1000000xf32, #tpu.memory_space<hbm>> -> memref<16x128xf32, #tpu.memory_space<hbm>>
      %dma_wait3A_372 = arith.constant 0 : i32
      %dma_wait3A_373 = arith.constant 0 : i32
      %dma_wait3A_374 = tpu.memref_slice %arg4[%dma_wait3A_372, %dma_wait3A_373] : memref<16x1000000xf32, #tpu.memory_space<hbm>> -> memref<16x128xf32, #tpu.memory_space<hbm>>
      tpu.wait_dma2 semaphore(%arg15 : memref<!tpu.dma_semaphore, #tpu.memory_space<semaphore_mem>>) src(%dma_wait3A_374 : memref<16x128xf32, #tpu.memory_space<hbm>>) dst(%arg19 : memref<16x128xf32, #tpu.memory_space<vmem>>)
      %dma_wait3A_375 = arith.constant 0 : i32
      %dma_wait3A_376 = arith.constant 0 : i32
      %dma_wait3A_377 = tpu.memref_slice %arg5[%dma_wait3A_375, %dma_wait3A_376] : memref<16x1000000xf32, #tpu.memory_space<hbm>> -> memref<16x128xf32, #tpu.memory_space<hbm>>
      %dma_wait3A_378 = arith.constant 0 : i32
      %dma_wait3A_379 = arith.constant 0 : i32
      %dma_wait3A_380 = tpu.memref_slice %arg5[%dma_wait3A_378, %dma_wait3A_379] : memref<16x1000000xf32, #tpu.memory_space<hbm>> -> memref<16x128xf32, #tpu.memory_space<hbm>>
      tpu.wait_dma2 semaphore(%arg15 : memref<!tpu.dma_semaphore, #tpu.memory_space<semaphore_mem>>) src(%dma_wait3A_380 : memref<16x128xf32, #tpu.memory_space<hbm>>) dst(%arg35 : memref<16x128xf32, #tpu.memory_space<vmem>>)
      %dma_wait3A_381 = arith.constant 0 : i32
      %dma_wait3A_382 = arith.constant 0 : i32
      %dma_wait3A_383 = tpu.memref_slice %arg4[%dma_wait3A_381, %dma_wait3A_382] : memref<16x1000000xf32, #tpu.memory_space<hbm>> -> memref<16x128xf32, #tpu.memory_space<hbm>>
      %dma_wait3A_384 = arith.constant 0 : i32
      %dma_wait3A_385 = arith.constant 0 : i32
      %dma_wait3A_386 = tpu.memref_slice %arg4[%dma_wait3A_384, %dma_wait3A_385] : memref<16x1000000xf32, #tpu.memory_space<hbm>> -> memref<16x128xf32, #tpu.memory_space<hbm>>
      tpu.wait_dma2 semaphore(%arg15 : memref<!tpu.dma_semaphore, #tpu.memory_space<semaphore_mem>>) src(%dma_wait3A_386 : memref<16x128xf32, #tpu.memory_space<hbm>>) dst(%arg20 : memref<16x128xf32, #tpu.memory_space<vmem>>)
      %dma_wait3A_387 = arith.constant 0 : i32
      %dma_wait3A_388 = arith.constant 0 : i32
      %dma_wait3A_389 = tpu.memref_slice %arg5[%dma_wait3A_387, %dma_wait3A_388] : memref<16x1000000xf32, #tpu.memory_space<hbm>> -> memref<16x128xf32, #tpu.memory_space<hbm>>
      %dma_wait3A_390 = arith.constant 0 : i32
      %dma_wait3A_391 = arith.constant 0 : i32
      %dma_wait3A_392 = tpu.memref_slice %arg5[%dma_wait3A_390, %dma_wait3A_391] : memref<16x1000000xf32, #tpu.memory_space<hbm>> -> memref<16x128xf32, #tpu.memory_space<hbm>>
      tpu.wait_dma2 semaphore(%arg15 : memref<!tpu.dma_semaphore, #tpu.memory_space<semaphore_mem>>) src(%dma_wait3A_392 : memref<16x128xf32, #tpu.memory_space<hbm>>) dst(%arg36 : memref<16x128xf32, #tpu.memory_space<vmem>>)
      %dma_wait3A_393 = arith.constant 0 : i32
      %dma_wait3A_394 = arith.constant 0 : i32
      %dma_wait3A_395 = tpu.memref_slice %arg4[%dma_wait3A_393, %dma_wait3A_394] : memref<16x1000000xf32, #tpu.memory_space<hbm>> -> memref<16x128xf32, #tpu.memory_space<hbm>>
      %dma_wait3A_396 = arith.constant 0 : i32
      %dma_wait3A_397 = arith.constant 0 : i32
      %dma_wait3A_398 = tpu.memref_slice %arg4[%dma_wait3A_396, %dma_wait3A_397] : memref<16x1000000xf32, #tpu.memory_space<hbm>> -> memref<16x128xf32, #tpu.memory_space<hbm>>
      tpu.wait_dma2 semaphore(%arg15 : memref<!tpu.dma_semaphore, #tpu.memory_space<semaphore_mem>>) src(%dma_wait3A_398 : memref<16x128xf32, #tpu.memory_space<hbm>>) dst(%arg21 : memref<16x128xf32, #tpu.memory_space<vmem>>)
      %dma_wait3A_399 = arith.constant 0 : i32
      %dma_wait3A_400 = arith.constant 0 : i32
      %dma_wait3A_401 = tpu.memref_slice %arg5[%dma_wait3A_399, %dma_wait3A_400] : memref<16x1000000xf32, #tpu.memory_space<hbm>> -> memref<16x128xf32, #tpu.memory_space<hbm>>
      %dma_wait3A_402 = arith.constant 0 : i32
      %dma_wait3A_403 = arith.constant 0 : i32
      %dma_wait3A_404 = tpu.memref_slice %arg5[%dma_wait3A_402, %dma_wait3A_403] : memref<16x1000000xf32, #tpu.memory_space<hbm>> -> memref<16x128xf32, #tpu.memory_space<hbm>>
      tpu.wait_dma2 semaphore(%arg15 : memref<!tpu.dma_semaphore, #tpu.memory_space<semaphore_mem>>) src(%dma_wait3A_404 : memref<16x128xf32, #tpu.memory_space<hbm>>) dst(%arg37 : memref<16x128xf32, #tpu.memory_space<vmem>>)
      %dma_wait3A_405 = arith.constant 0 : i32
      %dma_wait3A_406 = arith.constant 0 : i32
      %dma_wait3A_407 = tpu.memref_slice %arg4[%dma_wait3A_405, %dma_wait3A_406] : memref<16x1000000xf32, #tpu.memory_space<hbm>> -> memref<16x128xf32, #tpu.memory_space<hbm>>
      %dma_wait3A_408 = arith.constant 0 : i32
      %dma_wait3A_409 = arith.constant 0 : i32
      %dma_wait3A_410 = tpu.memref_slice %arg4[%dma_wait3A_408, %dma_wait3A_409] : memref<16x1000000xf32, #tpu.memory_space<hbm>> -> memref<16x128xf32, #tpu.memory_space<hbm>>
      tpu.wait_dma2 semaphore(%arg15 : memref<!tpu.dma_semaphore, #tpu.memory_space<semaphore_mem>>) src(%dma_wait3A_410 : memref<16x128xf32, #tpu.memory_space<hbm>>) dst(%arg22 : memref<16x128xf32, #tpu.memory_space<vmem>>)
      %dma_wait3A_411 = arith.constant 0 : i32
      %dma_wait3A_412 = arith.constant 0 : i32
      %dma_wait3A_413 = tpu.memref_slice %arg5[%dma_wait3A_411, %dma_wait3A_412] : memref<16x1000000xf32, #tpu.memory_space<hbm>> -> memref<16x128xf32, #tpu.memory_space<hbm>>
      %dma_wait3A_414 = arith.constant 0 : i32
      %dma_wait3A_415 = arith.constant 0 : i32
      %dma_wait3A_416 = tpu.memref_slice %arg5[%dma_wait3A_414, %dma_wait3A_415] : memref<16x1000000xf32, #tpu.memory_space<hbm>> -> memref<16x128xf32, #tpu.memory_space<hbm>>
      tpu.wait_dma2 semaphore(%arg15 : memref<!tpu.dma_semaphore, #tpu.memory_space<semaphore_mem>>) src(%dma_wait3A_416 : memref<16x128xf32, #tpu.memory_space<hbm>>) dst(%arg38 : memref<16x128xf32, #tpu.memory_space<vmem>>)
      %dma_wait3A_417 = arith.constant 0 : i32
      %dma_wait3A_418 = arith.constant 0 : i32
      %dma_wait3A_419 = tpu.memref_slice %arg4[%dma_wait3A_417, %dma_wait3A_418] : memref<16x1000000xf32, #tpu.memory_space<hbm>> -> memref<16x128xf32, #tpu.memory_space<hbm>>
      %dma_wait3A_420 = arith.constant 0 : i32
      %dma_wait3A_421 = arith.constant 0 : i32
      %dma_wait3A_422 = tpu.memref_slice %arg4[%dma_wait3A_420, %dma_wait3A_421] : memref<16x1000000xf32, #tpu.memory_space<hbm>> -> memref<16x128xf32, #tpu.memory_space<hbm>>
      tpu.wait_dma2 semaphore(%arg15 : memref<!tpu.dma_semaphore, #tpu.memory_space<semaphore_mem>>) src(%dma_wait3A_422 : memref<16x128xf32, #tpu.memory_space<hbm>>) dst(%arg23 : memref<16x128xf32, #tpu.memory_space<vmem>>)
      %dma_wait3A_423 = arith.constant 0 : i32
      %dma_wait3A_424 = arith.constant 0 : i32
      %dma_wait3A_425 = tpu.memref_slice %arg5[%dma_wait3A_423, %dma_wait3A_424] : memref<16x1000000xf32, #tpu.memory_space<hbm>> -> memref<16x128xf32, #tpu.memory_space<hbm>>
      %dma_wait3A_426 = arith.constant 0 : i32
      %dma_wait3A_427 = arith.constant 0 : i32
      %dma_wait3A_428 = tpu.memref_slice %arg5[%dma_wait3A_426, %dma_wait3A_427] : memref<16x1000000xf32, #tpu.memory_space<hbm>> -> memref<16x128xf32, #tpu.memory_space<hbm>>
      tpu.wait_dma2 semaphore(%arg15 : memref<!tpu.dma_semaphore, #tpu.memory_space<semaphore_mem>>) src(%dma_wait3A_428 : memref<16x128xf32, #tpu.memory_space<hbm>>) dst(%arg39 : memref<16x128xf32, #tpu.memory_space<vmem>>)
      %dma_wait3A_429 = arith.constant 0 : i32
      %dma_wait3A_430 = arith.constant 0 : i32
      %dma_wait3A_431 = tpu.memref_slice %arg4[%dma_wait3A_429, %dma_wait3A_430] : memref<16x1000000xf32, #tpu.memory_space<hbm>> -> memref<16x128xf32, #tpu.memory_space<hbm>>
      %dma_wait3A_432 = arith.constant 0 : i32
      %dma_wait3A_433 = arith.constant 0 : i32
      %dma_wait3A_434 = tpu.memref_slice %arg4[%dma_wait3A_432, %dma_wait3A_433] : memref<16x1000000xf32, #tpu.memory_space<hbm>> -> memref<16x128xf32, #tpu.memory_space<hbm>>
      tpu.wait_dma2 semaphore(%arg15 : memref<!tpu.dma_semaphore, #tpu.memory_space<semaphore_mem>>) src(%dma_wait3A_434 : memref<16x128xf32, #tpu.memory_space<hbm>>) dst(%arg24 : memref<16x128xf32, #tpu.memory_space<vmem>>)
      %dma_wait3A_435 = arith.constant 0 : i32
      %dma_wait3A_436 = arith.constant 0 : i32
      %dma_wait3A_437 = tpu.memref_slice %arg5[%dma_wait3A_435, %dma_wait3A_436] : memref<16x1000000xf32, #tpu.memory_space<hbm>> -> memref<16x128xf32, #tpu.memory_space<hbm>>
      %dma_wait3A_438 = arith.constant 0 : i32
      %dma_wait3A_439 = arith.constant 0 : i32
      %dma_wait3A_440 = tpu.memref_slice %arg5[%dma_wait3A_438, %dma_wait3A_439] : memref<16x1000000xf32, #tpu.memory_space<hbm>> -> memref<16x128xf32, #tpu.memory_space<hbm>>
      tpu.wait_dma2 semaphore(%arg15 : memref<!tpu.dma_semaphore, #tpu.memory_space<semaphore_mem>>) src(%dma_wait3A_440 : memref<16x128xf32, #tpu.memory_space<hbm>>) dst(%arg40 : memref<16x128xf32, #tpu.memory_space<vmem>>)
      %mul3A_441 = arith.constant 16 : i32
      %mul3A_442 = arith.muli %scan3A_177, %mul3A_441 : i32
      %get3A_443 = arith.index_cast %mul3A_442 : i32 to index
      %get3A_444 = tpu.vector_load %arg9[%get3A_443] {strides = array<i32>} : memref<512xi32, #tpu.memory_space<vmem>>, vector<16xi32>,
      %mul3A_445 = arith.constant 16 : i32
      %mul3A_446 = arith.muli %scan3A_177, %mul3A_445 : i32
      %get3A_447 = arith.index_cast %mul3A_446 : i32 to index
      %get3A_448 = tpu.vector_load %arg10[%get3A_447] {strides = array<i32>} : memref<512xi32, #tpu.memory_space<vmem>>, vector<16xi32>,
      %mul3A_449 = arith.constant 16 : i32
      %mul3A_450 = arith.muli %scan3A_177, %mul3A_449 : i32
      %add3A_451 = arith.constant 0 : i32
      %add3A_452 = arith.addi %mul3A_450, %add3A_451 : i32
      %add3A_453 = arith.constant 0 : i32
      %add3A_454 = arith.addi %add3A_452, %add3A_453 : i32
      %slice3A_455 = vector.extract_strided_slice %get3A_444 {offsets = [0], sizes = [1], strides = [1]} : vector<16xi32> to vector<1xi32>
      %squeeze3A_456 = vector.extract %slice3A_455[0] : i32 from vector<1xi32>
      %slice3A_457 = vector.extract_strided_slice %get3A_448 {offsets = [0], sizes = [1], strides = [1]} : vector<16xi32> to vector<1xi32>
      %squeeze3A_458 = vector.extract %slice3A_457[0] : i32 from vector<1xi32>
      %and3A = arith.constant 127 : i32
      %and3A_459 = arith.andi %squeeze3A_456, %and3A : i32
      %broadcast_in_dim3A = vector.broadcast %and3A_459 : i32 to vector<16xi32>
      %and3A_460 = arith.constant 127 : i32
      %and3A_461 = arith.andi %squeeze3A_458, %and3A_460 : i32
      %broadcast_in_dim3A_462 = vector.broadcast %and3A_461 : i32 to vector<16xi32>
      %gather3A = tpu.vector_load_idx %arg17[%iota3A, %broadcast_in_dim3A] : memref<16x128xf32, #tpu.memory_space<vmem>>[vector<16xi32>, vector<16xi32>], vector<16xf32>,
      %gather3A_463 = tpu.vector_load_idx %arg33[%iota3A, %broadcast_in_dim3A_462] : memref<16x128xf32, #tpu.memory_space<vmem>>[vector<16xi32>, vector<16xi32>], vector<16xf32>,
      %mul3A_464 = arith.constant 512 : i32
      %mul3A_465 = vector.broadcast %mul3A_464 : i32 to vector<16xi32>
      %mul3A_466 = arith.muli %iota3A, %mul3A_465 : vector<16xi32>
      %add3A_467 = vector.broadcast %add3A_454 : i32 to vector<16xi32>
      %add3A_468 = arith.addi %mul3A_466, %add3A_467 : vector<16xi32>
      %mul3A_469 = arith.mulf %gather3A, %gather3A_463 : vector<16xf32>
      tpu.vector_store_idx %arg11[%add3A_468], %mul3A_469 : memref<8192xf32, #tpu.memory_space<vmem>>[vector<16xi32>], vector<16xf32>,
      %mul3A_470 = arith.constant 16 : i32
      %mul3A_471 = arith.muli %scan3A_177, %mul3A_470 : i32
      %add3A_472 = arith.constant 0 : i32
      %add3A_473 = arith.addi %mul3A_471, %add3A_472 : i32
      %add3A_474 = arith.constant 1 : i32
      %add3A_475 = arith.addi %add3A_473, %add3A_474 : i32
      %slice3A_476 = vector.extract_strided_slice %get3A_444 {offsets = [1], sizes = [1], strides = [1]} : vector<16xi32> to vector<1xi32>
      %squeeze3A_477 = vector.extract %slice3A_476[0] : i32 from vector<1xi32>
      %slice3A_478 = vector.extract_strided_slice %get3A_448 {offsets = [1], sizes = [1], strides = [1]} : vector<16xi32> to vector<1xi32>
      %squeeze3A_479 = vector.extract %slice3A_478[0] : i32 from vector<1xi32>
      %and3A_480 = arith.constant 127 : i32
      %and3A_481 = arith.andi %squeeze3A_477, %and3A_480 : i32
      %broadcast_in_dim3A_482 = vector.broadcast %and3A_481 : i32 to vector<16xi32>
      %and3A_483 = arith.constant 127 : i32
      %and3A_484 = arith.andi %squeeze3A_479, %and3A_483 : i32
      %broadcast_in_dim3A_485 = vector.broadcast %and3A_484 : i32 to vector<16xi32>
      %gather3A_486 = tpu.vector_load_idx %arg18[%iota3A, %broadcast_in_dim3A_482] : memref<16x128xf32, #tpu.memory_space<vmem>>[vector<16xi32>, vector<16xi32>], vector<16xf32>,
      %gather3A_487 = tpu.vector_load_idx %arg34[%iota3A, %broadcast_in_dim3A_485] : memref<16x128xf32, #tpu.memory_space<vmem>>[vector<16xi32>, vector<16xi32>], vector<16xf32>,
      %mul3A_488 = arith.constant 512 : i32
      %mul3A_489 = vector.broadcast %mul3A_488 : i32 to vector<16xi32>
      %mul3A_490 = arith.muli %iota3A, %mul3A_489 : vector<16xi32>
      %add3A_491 = vector.broadcast %add3A_475 : i32 to vector<16xi32>
      %add3A_492 = arith.addi %mul3A_490, %add3A_491 : vector<16xi32>
      %mul3A_493 = arith.mulf %gather3A_486, %gather3A_487 : vector<16xf32>
      tpu.vector_store_idx %arg11[%add3A_492], %mul3A_493 : memref<8192xf32, #tpu.memory_space<vmem>>[vector<16xi32>], vector<16xf32>,
      %mul3A_494 = arith.constant 16 : i32
      %mul3A_495 = arith.muli %scan3A_177, %mul3A_494 : i32
      %add3A_496 = arith.constant 0 : i32
      %add3A_497 = arith.addi %mul3A_495, %add3A_496 : i32
      %add3A_498 = arith.constant 2 : i32
      %add3A_499 = arith.addi %add3A_497, %add3A_498 : i32
      %slice3A_500 = vector.extract_strided_slice %get3A_444 {offsets = [2], sizes = [1], strides = [1]} : vector<16xi32> to vector<1xi32>
      %squeeze3A_501 = vector.extract %slice3A_500[0] : i32 from vector<1xi32>
      %slice3A_502 = vector.extract_strided_slice %get3A_448 {offsets = [2], sizes = [1], strides = [1]} : vector<16xi32> to vector<1xi32>
      %squeeze3A_503 = vector.extract %slice3A_502[0] : i32 from vector<1xi32>
      %and3A_504 = arith.constant 127 : i32
      %and3A_505 = arith.andi %squeeze3A_501, %and3A_504 : i32
      %broadcast_in_dim3A_506 = vector.broadcast %and3A_505 : i32 to vector<16xi32>
      %and3A_507 = arith.constant 127 : i32
      %and3A_508 = arith.andi %squeeze3A_503, %and3A_507 : i32
      %broadcast_in_dim3A_509 = vector.broadcast %and3A_508 : i32 to vector<16xi32>
      %gather3A_510 = tpu.vector_load_idx %arg19[%iota3A, %broadcast_in_dim3A_506] : memref<16x128xf32, #tpu.memory_space<vmem>>[vector<16xi32>, vector<16xi32>], vector<16xf32>,
      %gather3A_511 = tpu.vector_load_idx %arg35[%iota3A, %broadcast_in_dim3A_509] : memref<16x128xf32, #tpu.memory_space<vmem>>[vector<16xi32>, vector<16xi32>], vector<16xf32>,
      %mul3A_512 = arith.constant 512 : i32
      %mul3A_513 = vector.broadcast %mul3A_512 : i32 to vector<16xi32>
      %mul3A_514 = arith.muli %iota3A, %mul3A_513 : vector<16xi32>
      %add3A_515 = vector.broadcast %add3A_499 : i32 to vector<16xi32>
      %add3A_516 = arith.addi %mul3A_514, %add3A_515 : vector<16xi32>
      %mul3A_517 = arith.mulf %gather3A_510, %gather3A_511 : vector<16xf32>
      tpu.vector_store_idx %arg11[%add3A_516], %mul3A_517 : memref<8192xf32, #tpu.memory_space<vmem>>[vector<16xi32>], vector<16xf32>,
      %mul3A_518 = arith.constant 16 : i32
      %mul3A_519 = arith.muli %scan3A_177, %mul3A_518 : i32
      %add3A_520 = arith.constant 0 : i32
      %add3A_521 = arith.addi %mul3A_519, %add3A_520 : i32
      %add3A_522 = arith.constant 3 : i32
      %add3A_523 = arith.addi %add3A_521, %add3A_522 : i32
      %slice3A_524 = vector.extract_strided_slice %get3A_444 {offsets = [3], sizes = [1], strides = [1]} : vector<16xi32> to vector<1xi32>
      %squeeze3A_525 = vector.extract %slice3A_524[0] : i32 from vector<1xi32>
      %slice3A_526 = vector.extract_strided_slice %get3A_448 {offsets = [3], sizes = [1], strides = [1]} : vector<16xi32> to vector<1xi32>
      %squeeze3A_527 = vector.extract %slice3A_526[0] : i32 from vector<1xi32>
      %and3A_528 = arith.constant 127 : i32
      %and3A_529 = arith.andi %squeeze3A_525, %and3A_528 : i32
      %broadcast_in_dim3A_530 = vector.broadcast %and3A_529 : i32 to vector<16xi32>
      %and3A_531 = arith.constant 127 : i32
      %and3A_532 = arith.andi %squeeze3A_527, %and3A_531 : i32
      %broadcast_in_dim3A_533 = vector.broadcast %and3A_532 : i32 to vector<16xi32>
      %gather3A_534 = tpu.vector_load_idx %arg20[%iota3A, %broadcast_in_dim3A_530] : memref<16x128xf32, #tpu.memory_space<vmem>>[vector<16xi32>, vector<16xi32>], vector<16xf32>,
      %gather3A_535 = tpu.vector_load_idx %arg36[%iota3A, %broadcast_in_dim3A_533] : memref<16x128xf32, #tpu.memory_space<vmem>>[vector<16xi32>, vector<16xi32>], vector<16xf32>,
      %mul3A_536 = arith.constant 512 : i32
      %mul3A_537 = vector.broadcast %mul3A_536 : i32 to vector<16xi32>
      %mul3A_538 = arith.muli %iota3A, %mul3A_537 : vector<16xi32>
      %add3A_539 = vector.broadcast %add3A_523 : i32 to vector<16xi32>
      %add3A_540 = arith.addi %mul3A_538, %add3A_539 : vector<16xi32>
      %mul3A_541 = arith.mulf %gather3A_534, %gather3A_535 : vector<16xf32>
      tpu.vector_store_idx %arg11[%add3A_540], %mul3A_541 : memref<8192xf32, #tpu.memory_space<vmem>>[vector<16xi32>], vector<16xf32>,
      %mul3A_542 = arith.constant 16 : i32
      %mul3A_543 = arith.muli %scan3A_177, %mul3A_542 : i32
      %add3A_544 = arith.constant 0 : i32
      %add3A_545 = arith.addi %mul3A_543, %add3A_544 : i32
      %add3A_546 = arith.constant 4 : i32
      %add3A_547 = arith.addi %add3A_545, %add3A_546 : i32
      %slice3A_548 = vector.extract_strided_slice %get3A_444 {offsets = [4], sizes = [1], strides = [1]} : vector<16xi32> to vector<1xi32>
      %squeeze3A_549 = vector.extract %slice3A_548[0] : i32 from vector<1xi32>
      %slice3A_550 = vector.extract_strided_slice %get3A_448 {offsets = [4], sizes = [1], strides = [1]} : vector<16xi32> to vector<1xi32>
      %squeeze3A_551 = vector.extract %slice3A_550[0] : i32 from vector<1xi32>
      %and3A_552 = arith.constant 127 : i32
      %and3A_553 = arith.andi %squeeze3A_549, %and3A_552 : i32
      %broadcast_in_dim3A_554 = vector.broadcast %and3A_553 : i32 to vector<16xi32>
      %and3A_555 = arith.constant 127 : i32
      %and3A_556 = arith.andi %squeeze3A_551, %and3A_555 : i32
      %broadcast_in_dim3A_557 = vector.broadcast %and3A_556 : i32 to vector<16xi32>
      %gather3A_558 = tpu.vector_load_idx %arg21[%iota3A, %broadcast_in_dim3A_554] : memref<16x128xf32, #tpu.memory_space<vmem>>[vector<16xi32>, vector<16xi32>], vector<16xf32>,
      %gather3A_559 = tpu.vector_load_idx %arg37[%iota3A, %broadcast_in_dim3A_557] : memref<16x128xf32, #tpu.memory_space<vmem>>[vector<16xi32>, vector<16xi32>], vector<16xf32>,
      %mul3A_560 = arith.constant 512 : i32
      %mul3A_561 = vector.broadcast %mul3A_560 : i32 to vector<16xi32>
      %mul3A_562 = arith.muli %iota3A, %mul3A_561 : vector<16xi32>
      %add3A_563 = vector.broadcast %add3A_547 : i32 to vector<16xi32>
      %add3A_564 = arith.addi %mul3A_562, %add3A_563 : vector<16xi32>
      %mul3A_565 = arith.mulf %gather3A_558, %gather3A_559 : vector<16xf32>
      tpu.vector_store_idx %arg11[%add3A_564], %mul3A_565 : memref<8192xf32, #tpu.memory_space<vmem>>[vector<16xi32>], vector<16xf32>,
      %mul3A_566 = arith.constant 16 : i32
      %mul3A_567 = arith.muli %scan3A_177, %mul3A_566 : i32
      %add3A_568 = arith.constant 0 : i32
      %add3A_569 = arith.addi %mul3A_567, %add3A_568 : i32
      %add3A_570 = arith.constant 5 : i32
      %add3A_571 = arith.addi %add3A_569, %add3A_570 : i32
      %slice3A_572 = vector.extract_strided_slice %get3A_444 {offsets = [5], sizes = [1], strides = [1]} : vector<16xi32> to vector<1xi32>
      %squeeze3A_573 = vector.extract %slice3A_572[0] : i32 from vector<1xi32>
      %slice3A_574 = vector.extract_strided_slice %get3A_448 {offsets = [5], sizes = [1], strides = [1]} : vector<16xi32> to vector<1xi32>
      %squeeze3A_575 = vector.extract %slice3A_574[0] : i32 from vector<1xi32>
      %and3A_576 = arith.constant 127 : i32
      %and3A_577 = arith.andi %squeeze3A_573, %and3A_576 : i32
      %broadcast_in_dim3A_578 = vector.broadcast %and3A_577 : i32 to vector<16xi32>
      %and3A_579 = arith.constant 127 : i32
      %and3A_580 = arith.andi %squeeze3A_575, %and3A_579 : i32
      %broadcast_in_dim3A_581 = vector.broadcast %and3A_580 : i32 to vector<16xi32>
      %gather3A_582 = tpu.vector_load_idx %arg22[%iota3A, %broadcast_in_dim3A_578] : memref<16x128xf32, #tpu.memory_space<vmem>>[vector<16xi32>, vector<16xi32>], vector<16xf32>,
      %gather3A_583 = tpu.vector_load_idx %arg38[%iota3A, %broadcast_in_dim3A_581] : memref<16x128xf32, #tpu.memory_space<vmem>>[vector<16xi32>, vector<16xi32>], vector<16xf32>,
      %mul3A_584 = arith.constant 512 : i32
      %mul3A_585 = vector.broadcast %mul3A_584 : i32 to vector<16xi32>
      %mul3A_586 = arith.muli %iota3A, %mul3A_585 : vector<16xi32>
      %add3A_587 = vector.broadcast %add3A_571 : i32 to vector<16xi32>
      %add3A_588 = arith.addi %mul3A_586, %add3A_587 : vector<16xi32>
      %mul3A_589 = arith.mulf %gather3A_582, %gather3A_583 : vector<16xf32>
      tpu.vector_store_idx %arg11[%add3A_588], %mul3A_589 : memref<8192xf32, #tpu.memory_space<vmem>>[vector<16xi32>], vector<16xf32>,
      %mul3A_590 = arith.constant 16 : i32
      %mul3A_591 = arith.muli %scan3A_177, %mul3A_590 : i32
      %add3A_592 = arith.constant 0 : i32
      %add3A_593 = arith.addi %mul3A_591, %add3A_592 : i32
      %add3A_594 = arith.constant 6 : i32
      %add3A_595 = arith.addi %add3A_593, %add3A_594 : i32
      %slice3A_596 = vector.extract_strided_slice %get3A_444 {offsets = [6], sizes = [1], strides = [1]} : vector<16xi32> to vector<1xi32>
      %squeeze3A_597 = vector.extract %slice3A_596[0] : i32 from vector<1xi32>
      %slice3A_598 = vector.extract_strided_slice %get3A_448 {offsets = [6], sizes = [1], strides = [1]} : vector<16xi32> to vector<1xi32>
      %squeeze3A_599 = vector.extract %slice3A_598[0] : i32 from vector<1xi32>
      %and3A_600 = arith.constant 127 : i32
      %and3A_601 = arith.andi %squeeze3A_597, %and3A_600 : i32
      %broadcast_in_dim3A_602 = vector.broadcast %and3A_601 : i32 to vector<16xi32>
      %and3A_603 = arith.constant 127 : i32
      %and3A_604 = arith.andi %squeeze3A_599, %and3A_603 : i32
      %broadcast_in_dim3A_605 = vector.broadcast %and3A_604 : i32 to vector<16xi32>
      %gather3A_606 = tpu.vector_load_idx %arg23[%iota3A, %broadcast_in_dim3A_602] : memref<16x128xf32, #tpu.memory_space<vmem>>[vector<16xi32>, vector<16xi32>], vector<16xf32>,
      %gather3A_607 = tpu.vector_load_idx %arg39[%iota3A, %broadcast_in_dim3A_605] : memref<16x128xf32, #tpu.memory_space<vmem>>[vector<16xi32>, vector<16xi32>], vector<16xf32>,
      %mul3A_608 = arith.constant 512 : i32
      %mul3A_609 = vector.broadcast %mul3A_608 : i32 to vector<16xi32>
      %mul3A_610 = arith.muli %iota3A, %mul3A_609 : vector<16xi32>
      %add3A_611 = vector.broadcast %add3A_595 : i32 to vector<16xi32>
      %add3A_612 = arith.addi %mul3A_610, %add3A_611 : vector<16xi32>
      %mul3A_613 = arith.mulf %gather3A_606, %gather3A_607 : vector<16xf32>
      tpu.vector_store_idx %arg11[%add3A_612], %mul3A_613 : memref<8192xf32, #tpu.memory_space<vmem>>[vector<16xi32>], vector<16xf32>,
      %mul3A_614 = arith.constant 16 : i32
      %mul3A_615 = arith.muli %scan3A_177, %mul3A_614 : i32
      %add3A_616 = arith.constant 0 : i32
      %add3A_617 = arith.addi %mul3A_615, %add3A_616 : i32
      %add3A_618 = arith.constant 7 : i32
      %add3A_619 = arith.addi %add3A_617, %add3A_618 : i32
      %slice3A_620 = vector.extract_strided_slice %get3A_444 {offsets = [7], sizes = [1], strides = [1]} : vector<16xi32> to vector<1xi32>
      %squeeze3A_621 = vector.extract %slice3A_620[0] : i32 from vector<1xi32>
      %slice3A_622 = vector.extract_strided_slice %get3A_448 {offsets = [7], sizes = [1], strides = [1]} : vector<16xi32> to vector<1xi32>
      %squeeze3A_623 = vector.extract %slice3A_622[0] : i32 from vector<1xi32>
      %and3A_624 = arith.constant 127 : i32
      %and3A_625 = arith.andi %squeeze3A_621, %and3A_624 : i32
      %broadcast_in_dim3A_626 = vector.broadcast %and3A_625 : i32 to vector<16xi32>
      %and3A_627 = arith.constant 127 : i32
      %and3A_628 = arith.andi %squeeze3A_623, %and3A_627 : i32
      %broadcast_in_dim3A_629 = vector.broadcast %and3A_628 : i32 to vector<16xi32>
      %gather3A_630 = tpu.vector_load_idx %arg24[%iota3A, %broadcast_in_dim3A_626] : memref<16x128xf32, #tpu.memory_space<vmem>>[vector<16xi32>, vector<16xi32>], vector<16xf32>,
      %gather3A_631 = tpu.vector_load_idx %arg40[%iota3A, %broadcast_in_dim3A_629] : memref<16x128xf32, #tpu.memory_space<vmem>>[vector<16xi32>, vector<16xi32>], vector<16xf32>,
      %mul3A_632 = arith.constant 512 : i32
      %mul3A_633 = vector.broadcast %mul3A_632 : i32 to vector<16xi32>
      %mul3A_634 = arith.muli %iota3A, %mul3A_633 : vector<16xi32>
      %add3A_635 = vector.broadcast %add3A_619 : i32 to vector<16xi32>
      %add3A_636 = arith.addi %mul3A_634, %add3A_635 : vector<16xi32>
      %mul3A_637 = arith.mulf %gather3A_630, %gather3A_631 : vector<16xf32>
      tpu.vector_store_idx %arg11[%add3A_636], %mul3A_637 : memref<8192xf32, #tpu.memory_space<vmem>>[vector<16xi32>], vector<16xf32>,
      %add3A_638 = arith.constant 1 : i32
      %add3A_639 = arith.addi %scan3A_177, %add3A_638 : i32
      %lt3A = arith.constant 32 : i32
      %lt3A_640 = arith.cmpi slt, %add3A_639, %lt3A : i32
      %convert_element_type3A = arith.extui %lt3A_640 : i1 to i32
      %cond3A = arith.constant 0 : i32
      %cond3A_641 = arith.cmpi ne, %convert_element_type3A, %cond3A : i32
      scf.if %cond3A_641 {
        %add3A_938 = arith.constant 1 : i32
        %add3A_939 = arith.addi %scan3A_177, %add3A_938 : i32
        %mul3A_940 = arith.constant 16 : i32
        %mul3A_941 = arith.muli %add3A_939, %mul3A_940 : i32
        %get3A_942 = arith.index_cast %mul3A_941 : i32 to index
        %get3A_943 = tpu.vector_load %arg9[%get3A_942] {strides = array<i32>} : memref<512xi32, #tpu.memory_space<vmem>>, vector<16xi32>,
        %mul3A_944 = arith.constant 16 : i32
        %mul3A_945 = arith.muli %add3A_939, %mul3A_944 : i32
        %get3A_946 = arith.index_cast %mul3A_945 : i32 to index
        %get3A_947 = tpu.vector_load %arg10[%get3A_946] {strides = array<i32>} : memref<512xi32, #tpu.memory_space<vmem>>, vector<16xi32>,
        %slice3A_948 = vector.extract_strided_slice %get3A_943 {offsets = [0], sizes = [1], strides = [1]} : vector<16xi32> to vector<1xi32>
        %squeeze3A_949 = vector.extract %slice3A_948[0] : i32 from vector<1xi32>
        %slice3A_950 = vector.extract_strided_slice %get3A_947 {offsets = [0], sizes = [1], strides = [1]} : vector<16xi32> to vector<1xi32>
        %squeeze3A_951 = vector.extract %slice3A_950[0] : i32 from vector<1xi32>
        %shift_right_arithmetic3A_952 = arith.constant 7 : i32
        %shift_right_arithmetic3A_953 = arith.shrsi %squeeze3A_949, %shift_right_arithmetic3A_952 : i32
        %mul3A_954 = arith.constant 128 : i32
        %mul3A_955 = arith.muli %shift_right_arithmetic3A_953, %mul3A_954 : i32
        %dma_start3A_956 = arith.constant 0 : i32
        %dma_start3A_957 = tpu.memref_slice %arg4[%dma_start3A_956, %mul3A_955] : memref<16x1000000xf32, #tpu.memory_space<hbm>> -> memref<16x128xf32, #tpu.memory_space<hbm>>
        %dma_start3A_958 = arith.constant 0 : i32
        %dma_start3A_959 = tpu.memref_slice %arg4[%dma_start3A_958, %mul3A_955] : memref<16x1000000xf32, #tpu.memory_space<hbm>> -> memref<16x128xf32, #tpu.memory_space<hbm>>
        tpu.enqueue_dma source(%dma_start3A_959 : memref<16x128xf32, #tpu.memory_space<hbm>>) target(%arg17 : memref<16x128xf32, #tpu.memory_space<vmem>>) target_semaphore(%arg15 : memref<!tpu.dma_semaphore, #tpu.memory_space<semaphore_mem>>)
        %shift_right_arithmetic3A_960 = arith.constant 7 : i32
        %shift_right_arithmetic3A_961 = arith.shrsi %squeeze3A_951, %shift_right_arithmetic3A_960 : i32
        %mul3A_962 = arith.constant 128 : i32
        %mul3A_963 = arith.muli %shift_right_arithmetic3A_961, %mul3A_962 : i32
        %dma_start3A_964 = arith.constant 0 : i32
        %dma_start3A_965 = tpu.memref_slice %arg5[%dma_start3A_964, %mul3A_963] : memref<16x1000000xf32, #tpu.memory_space<hbm>> -> memref<16x128xf32, #tpu.memory_space<hbm>>
        %dma_start3A_966 = arith.constant 0 : i32
        %dma_start3A_967 = tpu.memref_slice %arg5[%dma_start3A_966, %mul3A_963] : memref<16x1000000xf32, #tpu.memory_space<hbm>> -> memref<16x128xf32, #tpu.memory_space<hbm>>
        tpu.enqueue_dma source(%dma_start3A_967 : memref<16x128xf32, #tpu.memory_space<hbm>>) target(%arg33 : memref<16x128xf32, #tpu.memory_space<vmem>>) target_semaphore(%arg15 : memref<!tpu.dma_semaphore, #tpu.memory_space<semaphore_mem>>)
        %slice3A_968 = vector.extract_strided_slice %get3A_943 {offsets = [1], sizes = [1], strides = [1]} : vector<16xi32> to vector<1xi32>
        %squeeze3A_969 = vector.extract %slice3A_968[0] : i32 from vector<1xi32>
        %slice3A_970 = vector.extract_strided_slice %get3A_947 {offsets = [1], sizes = [1], strides = [1]} : vector<16xi32> to vector<1xi32>
        %squeeze3A_971 = vector.extract %slice3A_970[0] : i32 from vector<1xi32>
        %shift_right_arithmetic3A_972 = arith.constant 7 : i32
        %shift_right_arithmetic3A_973 = arith.shrsi %squeeze3A_969, %shift_right_arithmetic3A_972 : i32
        %mul3A_974 = arith.constant 128 : i32
        %mul3A_975 = arith.muli %shift_right_arithmetic3A_973, %mul3A_974 : i32
        %dma_start3A_976 = arith.constant 0 : i32
        %dma_start3A_977 = tpu.memref_slice %arg4[%dma_start3A_976, %mul3A_975] : memref<16x1000000xf32, #tpu.memory_space<hbm>> -> memref<16x128xf32, #tpu.memory_space<hbm>>
        %dma_start3A_978 = arith.constant 0 : i32
        %dma_start3A_979 = tpu.memref_slice %arg4[%dma_start3A_978, %mul3A_975] : memref<16x1000000xf32, #tpu.memory_space<hbm>> -> memref<16x128xf32, #tpu.memory_space<hbm>>
        tpu.enqueue_dma source(%dma_start3A_979 : memref<16x128xf32, #tpu.memory_space<hbm>>) target(%arg18 : memref<16x128xf32, #tpu.memory_space<vmem>>) target_semaphore(%arg15 : memref<!tpu.dma_semaphore, #tpu.memory_space<semaphore_mem>>)
        %shift_right_arithmetic3A_980 = arith.constant 7 : i32
        %shift_right_arithmetic3A_981 = arith.shrsi %squeeze3A_971, %shift_right_arithmetic3A_980 : i32
        %mul3A_982 = arith.constant 128 : i32
        %mul3A_983 = arith.muli %shift_right_arithmetic3A_981, %mul3A_982 : i32
        %dma_start3A_984 = arith.constant 0 : i32
        %dma_start3A_985 = tpu.memref_slice %arg5[%dma_start3A_984, %mul3A_983] : memref<16x1000000xf32, #tpu.memory_space<hbm>> -> memref<16x128xf32, #tpu.memory_space<hbm>>
        %dma_start3A_986 = arith.constant 0 : i32
        %dma_start3A_987 = tpu.memref_slice %arg5[%dma_start3A_986, %mul3A_983] : memref<16x1000000xf32, #tpu.memory_space<hbm>> -> memref<16x128xf32, #tpu.memory_space<hbm>>
        tpu.enqueue_dma source(%dma_start3A_987 : memref<16x128xf32, #tpu.memory_space<hbm>>) target(%arg34 : memref<16x128xf32, #tpu.memory_space<vmem>>) target_semaphore(%arg15 : memref<!tpu.dma_semaphore, #tpu.memory_space<semaphore_mem>>)
        %slice3A_988 = vector.extract_strided_slice %get3A_943 {offsets = [2], sizes = [1], strides = [1]} : vector<16xi32> to vector<1xi32>
        %squeeze3A_989 = vector.extract %slice3A_988[0] : i32 from vector<1xi32>
        %slice3A_990 = vector.extract_strided_slice %get3A_947 {offsets = [2], sizes = [1], strides = [1]} : vector<16xi32> to vector<1xi32>
        %squeeze3A_991 = vector.extract %slice3A_990[0] : i32 from vector<1xi32>
        %shift_right_arithmetic3A_992 = arith.constant 7 : i32
        %shift_right_arithmetic3A_993 = arith.shrsi %squeeze3A_989, %shift_right_arithmetic3A_992 : i32
        %mul3A_994 = arith.constant 128 : i32
        %mul3A_995 = arith.muli %shift_right_arithmetic3A_993, %mul3A_994 : i32
        %dma_start3A_996 = arith.constant 0 : i32
        %dma_start3A_997 = tpu.memref_slice %arg4[%dma_start3A_996, %mul3A_995] : memref<16x1000000xf32, #tpu.memory_space<hbm>> -> memref<16x128xf32, #tpu.memory_space<hbm>>
        %dma_start3A_998 = arith.constant 0 : i32
        %dma_start3A_999 = tpu.memref_slice %arg4[%dma_start3A_998, %mul3A_995] : memref<16x1000000xf32, #tpu.memory_space<hbm>> -> memref<16x128xf32, #tpu.memory_space<hbm>>
        tpu.enqueue_dma source(%dma_start3A_999 : memref<16x128xf32, #tpu.memory_space<hbm>>) target(%arg19 : memref<16x128xf32, #tpu.memory_space<vmem>>) target_semaphore(%arg15 : memref<!tpu.dma_semaphore, #tpu.memory_space<semaphore_mem>>)
        %shift_right_arithmetic3A_1000 = arith.constant 7 : i32
        %shift_right_arithmetic3A_1001 = arith.shrsi %squeeze3A_991, %shift_right_arithmetic3A_1000 : i32
        %mul3A_1002 = arith.constant 128 : i32
        %mul3A_1003 = arith.muli %shift_right_arithmetic3A_1001, %mul3A_1002 : i32
        %dma_start3A_1004 = arith.constant 0 : i32
        %dma_start3A_1005 = tpu.memref_slice %arg5[%dma_start3A_1004, %mul3A_1003] : memref<16x1000000xf32, #tpu.memory_space<hbm>> -> memref<16x128xf32, #tpu.memory_space<hbm>>
        %dma_start3A_1006 = arith.constant 0 : i32
        %dma_start3A_1007 = tpu.memref_slice %arg5[%dma_start3A_1006, %mul3A_1003] : memref<16x1000000xf32, #tpu.memory_space<hbm>> -> memref<16x128xf32, #tpu.memory_space<hbm>>
        tpu.enqueue_dma source(%dma_start3A_1007 : memref<16x128xf32, #tpu.memory_space<hbm>>) target(%arg35 : memref<16x128xf32, #tpu.memory_space<vmem>>) target_semaphore(%arg15 : memref<!tpu.dma_semaphore, #tpu.memory_space<semaphore_mem>>)
        %slice3A_1008 = vector.extract_strided_slice %get3A_943 {offsets = [3], sizes = [1], strides = [1]} : vector<16xi32> to vector<1xi32>
        %squeeze3A_1009 = vector.extract %slice3A_1008[0] : i32 from vector<1xi32>
        %slice3A_1010 = vector.extract_strided_slice %get3A_947 {offsets = [3], sizes = [1], strides = [1]} : vector<16xi32> to vector<1xi32>
        %squeeze3A_1011 = vector.extract %slice3A_1010[0] : i32 from vector<1xi32>
        %shift_right_arithmetic3A_1012 = arith.constant 7 : i32
        %shift_right_arithmetic3A_1013 = arith.shrsi %squeeze3A_1009, %shift_right_arithmetic3A_1012 : i32
        %mul3A_1014 = arith.constant 128 : i32
        %mul3A_1015 = arith.muli %shift_right_arithmetic3A_1013, %mul3A_1014 : i32
        %dma_start3A_1016 = arith.constant 0 : i32
        %dma_start3A_1017 = tpu.memref_slice %arg4[%dma_start3A_1016, %mul3A_1015] : memref<16x1000000xf32, #tpu.memory_space<hbm>> -> memref<16x128xf32, #tpu.memory_space<hbm>>
        %dma_start3A_1018 = arith.constant 0 : i32
        %dma_start3A_1019 = tpu.memref_slice %arg4[%dma_start3A_1018, %mul3A_1015] : memref<16x1000000xf32, #tpu.memory_space<hbm>> -> memref<16x128xf32, #tpu.memory_space<hbm>>
        tpu.enqueue_dma source(%dma_start3A_1019 : memref<16x128xf32, #tpu.memory_space<hbm>>) target(%arg20 : memref<16x128xf32, #tpu.memory_space<vmem>>) target_semaphore(%arg15 : memref<!tpu.dma_semaphore, #tpu.memory_space<semaphore_mem>>)
        %shift_right_arithmetic3A_1020 = arith.constant 7 : i32
        %shift_right_arithmetic3A_1021 = arith.shrsi %squeeze3A_1011, %shift_right_arithmetic3A_1020 : i32
        %mul3A_1022 = arith.constant 128 : i32
        %mul3A_1023 = arith.muli %shift_right_arithmetic3A_1021, %mul3A_1022 : i32
        %dma_start3A_1024 = arith.constant 0 : i32
        %dma_start3A_1025 = tpu.memref_slice %arg5[%dma_start3A_1024, %mul3A_1023] : memref<16x1000000xf32, #tpu.memory_space<hbm>> -> memref<16x128xf32, #tpu.memory_space<hbm>>
        %dma_start3A_1026 = arith.constant 0 : i32
        %dma_start3A_1027 = tpu.memref_slice %arg5[%dma_start3A_1026, %mul3A_1023] : memref<16x1000000xf32, #tpu.memory_space<hbm>> -> memref<16x128xf32, #tpu.memory_space<hbm>>
        tpu.enqueue_dma source(%dma_start3A_1027 : memref<16x128xf32, #tpu.memory_space<hbm>>) target(%arg36 : memref<16x128xf32, #tpu.memory_space<vmem>>) target_semaphore(%arg15 : memref<!tpu.dma_semaphore, #tpu.memory_space<semaphore_mem>>)
        %slice3A_1028 = vector.extract_strided_slice %get3A_943 {offsets = [4], sizes = [1], strides = [1]} : vector<16xi32> to vector<1xi32>
        %squeeze3A_1029 = vector.extract %slice3A_1028[0] : i32 from vector<1xi32>
        %slice3A_1030 = vector.extract_strided_slice %get3A_947 {offsets = [4], sizes = [1], strides = [1]} : vector<16xi32> to vector<1xi32>
        %squeeze3A_1031 = vector.extract %slice3A_1030[0] : i32 from vector<1xi32>
        %shift_right_arithmetic3A_1032 = arith.constant 7 : i32
        %shift_right_arithmetic3A_1033 = arith.shrsi %squeeze3A_1029, %shift_right_arithmetic3A_1032 : i32
        %mul3A_1034 = arith.constant 128 : i32
        %mul3A_1035 = arith.muli %shift_right_arithmetic3A_1033, %mul3A_1034 : i32
        %dma_start3A_1036 = arith.constant 0 : i32
        %dma_start3A_1037 = tpu.memref_slice %arg4[%dma_start3A_1036, %mul3A_1035] : memref<16x1000000xf32, #tpu.memory_space<hbm>> -> memref<16x128xf32, #tpu.memory_space<hbm>>
        %dma_start3A_1038 = arith.constant 0 : i32
        %dma_start3A_1039 = tpu.memref_slice %arg4[%dma_start3A_1038, %mul3A_1035] : memref<16x1000000xf32, #tpu.memory_space<hbm>> -> memref<16x128xf32, #tpu.memory_space<hbm>>
        tpu.enqueue_dma source(%dma_start3A_1039 : memref<16x128xf32, #tpu.memory_space<hbm>>) target(%arg21 : memref<16x128xf32, #tpu.memory_space<vmem>>) target_semaphore(%arg15 : memref<!tpu.dma_semaphore, #tpu.memory_space<semaphore_mem>>)
        %shift_right_arithmetic3A_1040 = arith.constant 7 : i32
        %shift_right_arithmetic3A_1041 = arith.shrsi %squeeze3A_1031, %shift_right_arithmetic3A_1040 : i32
        %mul3A_1042 = arith.constant 128 : i32
        %mul3A_1043 = arith.muli %shift_right_arithmetic3A_1041, %mul3A_1042 : i32
        %dma_start3A_1044 = arith.constant 0 : i32
        %dma_start3A_1045 = tpu.memref_slice %arg5[%dma_start3A_1044, %mul3A_1043] : memref<16x1000000xf32, #tpu.memory_space<hbm>> -> memref<16x128xf32, #tpu.memory_space<hbm>>
        %dma_start3A_1046 = arith.constant 0 : i32
        %dma_start3A_1047 = tpu.memref_slice %arg5[%dma_start3A_1046, %mul3A_1043] : memref<16x1000000xf32, #tpu.memory_space<hbm>> -> memref<16x128xf32, #tpu.memory_space<hbm>>
        tpu.enqueue_dma source(%dma_start3A_1047 : memref<16x128xf32, #tpu.memory_space<hbm>>) target(%arg37 : memref<16x128xf32, #tpu.memory_space<vmem>>) target_semaphore(%arg15 : memref<!tpu.dma_semaphore, #tpu.memory_space<semaphore_mem>>)
        %slice3A_1048 = vector.extract_strided_slice %get3A_943 {offsets = [5], sizes = [1], strides = [1]} : vector<16xi32> to vector<1xi32>
        %squeeze3A_1049 = vector.extract %slice3A_1048[0] : i32 from vector<1xi32>
        %slice3A_1050 = vector.extract_strided_slice %get3A_947 {offsets = [5], sizes = [1], strides = [1]} : vector<16xi32> to vector<1xi32>
        %squeeze3A_1051 = vector.extract %slice3A_1050[0] : i32 from vector<1xi32>
        %shift_right_arithmetic3A_1052 = arith.constant 7 : i32
        %shift_right_arithmetic3A_1053 = arith.shrsi %squeeze3A_1049, %shift_right_arithmetic3A_1052 : i32
        %mul3A_1054 = arith.constant 128 : i32
        %mul3A_1055 = arith.muli %shift_right_arithmetic3A_1053, %mul3A_1054 : i32
        %dma_start3A_1056 = arith.constant 0 : i32
        %dma_start3A_1057 = tpu.memref_slice %arg4[%dma_start3A_1056, %mul3A_1055] : memref<16x1000000xf32, #tpu.memory_space<hbm>> -> memref<16x128xf32, #tpu.memory_space<hbm>>
        %dma_start3A_1058 = arith.constant 0 : i32
        %dma_start3A_1059 = tpu.memref_slice %arg4[%dma_start3A_1058, %mul3A_1055] : memref<16x1000000xf32, #tpu.memory_space<hbm>> -> memref<16x128xf32, #tpu.memory_space<hbm>>
        tpu.enqueue_dma source(%dma_start3A_1059 : memref<16x128xf32, #tpu.memory_space<hbm>>) target(%arg22 : memref<16x128xf32, #tpu.memory_space<vmem>>) target_semaphore(%arg15 : memref<!tpu.dma_semaphore, #tpu.memory_space<semaphore_mem>>)
        %shift_right_arithmetic3A_1060 = arith.constant 7 : i32
        %shift_right_arithmetic3A_1061 = arith.shrsi %squeeze3A_1051, %shift_right_arithmetic3A_1060 : i32
        %mul3A_1062 = arith.constant 128 : i32
        %mul3A_1063 = arith.muli %shift_right_arithmetic3A_1061, %mul3A_1062 : i32
        %dma_start3A_1064 = arith.constant 0 : i32
        %dma_start3A_1065 = tpu.memref_slice %arg5[%dma_start3A_1064, %mul3A_1063] : memref<16x1000000xf32, #tpu.memory_space<hbm>> -> memref<16x128xf32, #tpu.memory_space<hbm>>
        %dma_start3A_1066 = arith.constant 0 : i32
        %dma_start3A_1067 = tpu.memref_slice %arg5[%dma_start3A_1066, %mul3A_1063] : memref<16x1000000xf32, #tpu.memory_space<hbm>> -> memref<16x128xf32, #tpu.memory_space<hbm>>
        tpu.enqueue_dma source(%dma_start3A_1067 : memref<16x128xf32, #tpu.memory_space<hbm>>) target(%arg38 : memref<16x128xf32, #tpu.memory_space<vmem>>) target_semaphore(%arg15 : memref<!tpu.dma_semaphore, #tpu.memory_space<semaphore_mem>>)
        %slice3A_1068 = vector.extract_strided_slice %get3A_943 {offsets = [6], sizes = [1], strides = [1]} : vector<16xi32> to vector<1xi32>
        %squeeze3A_1069 = vector.extract %slice3A_1068[0] : i32 from vector<1xi32>
        %slice3A_1070 = vector.extract_strided_slice %get3A_947 {offsets = [6], sizes = [1], strides = [1]} : vector<16xi32> to vector<1xi32>
        %squeeze3A_1071 = vector.extract %slice3A_1070[0] : i32 from vector<1xi32>
        %shift_right_arithmetic3A_1072 = arith.constant 7 : i32
        %shift_right_arithmetic3A_1073 = arith.shrsi %squeeze3A_1069, %shift_right_arithmetic3A_1072 : i32
        %mul3A_1074 = arith.constant 128 : i32
        %mul3A_1075 = arith.muli %shift_right_arithmetic3A_1073, %mul3A_1074 : i32
        %dma_start3A_1076 = arith.constant 0 : i32
        %dma_start3A_1077 = tpu.memref_slice %arg4[%dma_start3A_1076, %mul3A_1075] : memref<16x1000000xf32, #tpu.memory_space<hbm>> -> memref<16x128xf32, #tpu.memory_space<hbm>>
        %dma_start3A_1078 = arith.constant 0 : i32
        %dma_start3A_1079 = tpu.memref_slice %arg4[%dma_start3A_1078, %mul3A_1075] : memref<16x1000000xf32, #tpu.memory_space<hbm>> -> memref<16x128xf32, #tpu.memory_space<hbm>>
        tpu.enqueue_dma source(%dma_start3A_1079 : memref<16x128xf32, #tpu.memory_space<hbm>>) target(%arg23 : memref<16x128xf32, #tpu.memory_space<vmem>>) target_semaphore(%arg15 : memref<!tpu.dma_semaphore, #tpu.memory_space<semaphore_mem>>)
        %shift_right_arithmetic3A_1080 = arith.constant 7 : i32
        %shift_right_arithmetic3A_1081 = arith.shrsi %squeeze3A_1071, %shift_right_arithmetic3A_1080 : i32
        %mul3A_1082 = arith.constant 128 : i32
        %mul3A_1083 = arith.muli %shift_right_arithmetic3A_1081, %mul3A_1082 : i32
        %dma_start3A_1084 = arith.constant 0 : i32
        %dma_start3A_1085 = tpu.memref_slice %arg5[%dma_start3A_1084, %mul3A_1083] : memref<16x1000000xf32, #tpu.memory_space<hbm>> -> memref<16x128xf32, #tpu.memory_space<hbm>>
        %dma_start3A_1086 = arith.constant 0 : i32
        %dma_start3A_1087 = tpu.memref_slice %arg5[%dma_start3A_1086, %mul3A_1083] : memref<16x1000000xf32, #tpu.memory_space<hbm>> -> memref<16x128xf32, #tpu.memory_space<hbm>>
        tpu.enqueue_dma source(%dma_start3A_1087 : memref<16x128xf32, #tpu.memory_space<hbm>>) target(%arg39 : memref<16x128xf32, #tpu.memory_space<vmem>>) target_semaphore(%arg15 : memref<!tpu.dma_semaphore, #tpu.memory_space<semaphore_mem>>)
        %slice3A_1088 = vector.extract_strided_slice %get3A_943 {offsets = [7], sizes = [1], strides = [1]} : vector<16xi32> to vector<1xi32>
        %squeeze3A_1089 = vector.extract %slice3A_1088[0] : i32 from vector<1xi32>
        %slice3A_1090 = vector.extract_strided_slice %get3A_947 {offsets = [7], sizes = [1], strides = [1]} : vector<16xi32> to vector<1xi32>
        %squeeze3A_1091 = vector.extract %slice3A_1090[0] : i32 from vector<1xi32>
        %shift_right_arithmetic3A_1092 = arith.constant 7 : i32
        %shift_right_arithmetic3A_1093 = arith.shrsi %squeeze3A_1089, %shift_right_arithmetic3A_1092 : i32
        %mul3A_1094 = arith.constant 128 : i32
        %mul3A_1095 = arith.muli %shift_right_arithmetic3A_1093, %mul3A_1094 : i32
        %dma_start3A_1096 = arith.constant 0 : i32
        %dma_start3A_1097 = tpu.memref_slice %arg4[%dma_start3A_1096, %mul3A_1095] : memref<16x1000000xf32, #tpu.memory_space<hbm>> -> memref<16x128xf32, #tpu.memory_space<hbm>>
        %dma_start3A_1098 = arith.constant 0 : i32
        %dma_start3A_1099 = tpu.memref_slice %arg4[%dma_start3A_1098, %mul3A_1095] : memref<16x1000000xf32, #tpu.memory_space<hbm>> -> memref<16x128xf32, #tpu.memory_space<hbm>>
        tpu.enqueue_dma source(%dma_start3A_1099 : memref<16x128xf32, #tpu.memory_space<hbm>>) target(%arg24 : memref<16x128xf32, #tpu.memory_space<vmem>>) target_semaphore(%arg15 : memref<!tpu.dma_semaphore, #tpu.memory_space<semaphore_mem>>)
        %shift_right_arithmetic3A_1100 = arith.constant 7 : i32
        %shift_right_arithmetic3A_1101 = arith.shrsi %squeeze3A_1091, %shift_right_arithmetic3A_1100 : i32
        %mul3A_1102 = arith.constant 128 : i32
        %mul3A_1103 = arith.muli %shift_right_arithmetic3A_1101, %mul3A_1102 : i32
        %dma_start3A_1104 = arith.constant 0 : i32
        %dma_start3A_1105 = tpu.memref_slice %arg5[%dma_start3A_1104, %mul3A_1103] : memref<16x1000000xf32, #tpu.memory_space<hbm>> -> memref<16x128xf32, #tpu.memory_space<hbm>>
        %dma_start3A_1106 = arith.constant 0 : i32
        %dma_start3A_1107 = tpu.memref_slice %arg5[%dma_start3A_1106, %mul3A_1103] : memref<16x1000000xf32, #tpu.memory_space<hbm>> -> memref<16x128xf32, #tpu.memory_space<hbm>>
        tpu.enqueue_dma source(%dma_start3A_1107 : memref<16x128xf32, #tpu.memory_space<hbm>>) target(%arg40 : memref<16x128xf32, #tpu.memory_space<vmem>>) target_semaphore(%arg15 : memref<!tpu.dma_semaphore, #tpu.memory_space<semaphore_mem>>)
      } else {
      }
      %dma_wait3A_642 = arith.constant 0 : i32
      %dma_wait3A_643 = arith.constant 0 : i32
      %dma_wait3A_644 = tpu.memref_slice %arg4[%dma_wait3A_642, %dma_wait3A_643] : memref<16x1000000xf32, #tpu.memory_space<hbm>> -> memref<16x128xf32, #tpu.memory_space<hbm>>
      %dma_wait3A_645 = arith.constant 0 : i32
      %dma_wait3A_646 = arith.constant 0 : i32
      %dma_wait3A_647 = tpu.memref_slice %arg4[%dma_wait3A_645, %dma_wait3A_646] : memref<16x1000000xf32, #tpu.memory_space<hbm>> -> memref<16x128xf32, #tpu.memory_space<hbm>>
      tpu.wait_dma2 semaphore(%arg16 : memref<!tpu.dma_semaphore, #tpu.memory_space<semaphore_mem>>) src(%dma_wait3A_647 : memref<16x128xf32, #tpu.memory_space<hbm>>) dst(%arg25 : memref<16x128xf32, #tpu.memory_space<vmem>>)
      %dma_wait3A_648 = arith.constant 0 : i32
      %dma_wait3A_649 = arith.constant 0 : i32
      %dma_wait3A_650 = tpu.memref_slice %arg5[%dma_wait3A_648, %dma_wait3A_649] : memref<16x1000000xf32, #tpu.memory_space<hbm>> -> memref<16x128xf32, #tpu.memory_space<hbm>>
      %dma_wait3A_651 = arith.constant 0 : i32
      %dma_wait3A_652 = arith.constant 0 : i32
      %dma_wait3A_653 = tpu.memref_slice %arg5[%dma_wait3A_651, %dma_wait3A_652] : memref<16x1000000xf32, #tpu.memory_space<hbm>> -> memref<16x128xf32, #tpu.memory_space<hbm>>
      tpu.wait_dma2 semaphore(%arg16 : memref<!tpu.dma_semaphore, #tpu.memory_space<semaphore_mem>>) src(%dma_wait3A_653 : memref<16x128xf32, #tpu.memory_space<hbm>>) dst(%arg41 : memref<16x128xf32, #tpu.memory_space<vmem>>)
      %dma_wait3A_654 = arith.constant 0 : i32
      %dma_wait3A_655 = arith.constant 0 : i32
      %dma_wait3A_656 = tpu.memref_slice %arg4[%dma_wait3A_654, %dma_wait3A_655] : memref<16x1000000xf32, #tpu.memory_space<hbm>> -> memref<16x128xf32, #tpu.memory_space<hbm>>
      %dma_wait3A_657 = arith.constant 0 : i32
      %dma_wait3A_658 = arith.constant 0 : i32
      %dma_wait3A_659 = tpu.memref_slice %arg4[%dma_wait3A_657, %dma_wait3A_658] : memref<16x1000000xf32, #tpu.memory_space<hbm>> -> memref<16x128xf32, #tpu.memory_space<hbm>>
      tpu.wait_dma2 semaphore(%arg16 : memref<!tpu.dma_semaphore, #tpu.memory_space<semaphore_mem>>) src(%dma_wait3A_659 : memref<16x128xf32, #tpu.memory_space<hbm>>) dst(%arg26 : memref<16x128xf32, #tpu.memory_space<vmem>>)
      %dma_wait3A_660 = arith.constant 0 : i32
      %dma_wait3A_661 = arith.constant 0 : i32
      %dma_wait3A_662 = tpu.memref_slice %arg5[%dma_wait3A_660, %dma_wait3A_661] : memref<16x1000000xf32, #tpu.memory_space<hbm>> -> memref<16x128xf32, #tpu.memory_space<hbm>>
      %dma_wait3A_663 = arith.constant 0 : i32
      %dma_wait3A_664 = arith.constant 0 : i32
      %dma_wait3A_665 = tpu.memref_slice %arg5[%dma_wait3A_663, %dma_wait3A_664] : memref<16x1000000xf32, #tpu.memory_space<hbm>> -> memref<16x128xf32, #tpu.memory_space<hbm>>
      tpu.wait_dma2 semaphore(%arg16 : memref<!tpu.dma_semaphore, #tpu.memory_space<semaphore_mem>>) src(%dma_wait3A_665 : memref<16x128xf32, #tpu.memory_space<hbm>>) dst(%arg42 : memref<16x128xf32, #tpu.memory_space<vmem>>)
      %dma_wait3A_666 = arith.constant 0 : i32
      %dma_wait3A_667 = arith.constant 0 : i32
      %dma_wait3A_668 = tpu.memref_slice %arg4[%dma_wait3A_666, %dma_wait3A_667] : memref<16x1000000xf32, #tpu.memory_space<hbm>> -> memref<16x128xf32, #tpu.memory_space<hbm>>
      %dma_wait3A_669 = arith.constant 0 : i32
      %dma_wait3A_670 = arith.constant 0 : i32
      %dma_wait3A_671 = tpu.memref_slice %arg4[%dma_wait3A_669, %dma_wait3A_670] : memref<16x1000000xf32, #tpu.memory_space<hbm>> -> memref<16x128xf32, #tpu.memory_space<hbm>>
      tpu.wait_dma2 semaphore(%arg16 : memref<!tpu.dma_semaphore, #tpu.memory_space<semaphore_mem>>) src(%dma_wait3A_671 : memref<16x128xf32, #tpu.memory_space<hbm>>) dst(%arg27 : memref<16x128xf32, #tpu.memory_space<vmem>>)
      %dma_wait3A_672 = arith.constant 0 : i32
      %dma_wait3A_673 = arith.constant 0 : i32
      %dma_wait3A_674 = tpu.memref_slice %arg5[%dma_wait3A_672, %dma_wait3A_673] : memref<16x1000000xf32, #tpu.memory_space<hbm>> -> memref<16x128xf32, #tpu.memory_space<hbm>>
      %dma_wait3A_675 = arith.constant 0 : i32
      %dma_wait3A_676 = arith.constant 0 : i32
      %dma_wait3A_677 = tpu.memref_slice %arg5[%dma_wait3A_675, %dma_wait3A_676] : memref<16x1000000xf32, #tpu.memory_space<hbm>> -> memref<16x128xf32, #tpu.memory_space<hbm>>
      tpu.wait_dma2 semaphore(%arg16 : memref<!tpu.dma_semaphore, #tpu.memory_space<semaphore_mem>>) src(%dma_wait3A_677 : memref<16x128xf32, #tpu.memory_space<hbm>>) dst(%arg43 : memref<16x128xf32, #tpu.memory_space<vmem>>)
      %dma_wait3A_678 = arith.constant 0 : i32
      %dma_wait3A_679 = arith.constant 0 : i32
      %dma_wait3A_680 = tpu.memref_slice %arg4[%dma_wait3A_678, %dma_wait3A_679] : memref<16x1000000xf32, #tpu.memory_space<hbm>> -> memref<16x128xf32, #tpu.memory_space<hbm>>
      %dma_wait3A_681 = arith.constant 0 : i32
      %dma_wait3A_682 = arith.constant 0 : i32
      %dma_wait3A_683 = tpu.memref_slice %arg4[%dma_wait3A_681, %dma_wait3A_682] : memref<16x1000000xf32, #tpu.memory_space<hbm>> -> memref<16x128xf32, #tpu.memory_space<hbm>>
      tpu.wait_dma2 semaphore(%arg16 : memref<!tpu.dma_semaphore, #tpu.memory_space<semaphore_mem>>) src(%dma_wait3A_683 : memref<16x128xf32, #tpu.memory_space<hbm>>) dst(%arg28 : memref<16x128xf32, #tpu.memory_space<vmem>>)
      %dma_wait3A_684 = arith.constant 0 : i32
      %dma_wait3A_685 = arith.constant 0 : i32
      %dma_wait3A_686 = tpu.memref_slice %arg5[%dma_wait3A_684, %dma_wait3A_685] : memref<16x1000000xf32, #tpu.memory_space<hbm>> -> memref<16x128xf32, #tpu.memory_space<hbm>>
      %dma_wait3A_687 = arith.constant 0 : i32
      %dma_wait3A_688 = arith.constant 0 : i32
      %dma_wait3A_689 = tpu.memref_slice %arg5[%dma_wait3A_687, %dma_wait3A_688] : memref<16x1000000xf32, #tpu.memory_space<hbm>> -> memref<16x128xf32, #tpu.memory_space<hbm>>
      tpu.wait_dma2 semaphore(%arg16 : memref<!tpu.dma_semaphore, #tpu.memory_space<semaphore_mem>>) src(%dma_wait3A_689 : memref<16x128xf32, #tpu.memory_space<hbm>>) dst(%arg44 : memref<16x128xf32, #tpu.memory_space<vmem>>)
      %dma_wait3A_690 = arith.constant 0 : i32
      %dma_wait3A_691 = arith.constant 0 : i32
      %dma_wait3A_692 = tpu.memref_slice %arg4[%dma_wait3A_690, %dma_wait3A_691] : memref<16x1000000xf32, #tpu.memory_space<hbm>> -> memref<16x128xf32, #tpu.memory_space<hbm>>
      %dma_wait3A_693 = arith.constant 0 : i32
      %dma_wait3A_694 = arith.constant 0 : i32
      %dma_wait3A_695 = tpu.memref_slice %arg4[%dma_wait3A_693, %dma_wait3A_694] : memref<16x1000000xf32, #tpu.memory_space<hbm>> -> memref<16x128xf32, #tpu.memory_space<hbm>>
      tpu.wait_dma2 semaphore(%arg16 : memref<!tpu.dma_semaphore, #tpu.memory_space<semaphore_mem>>) src(%dma_wait3A_695 : memref<16x128xf32, #tpu.memory_space<hbm>>) dst(%arg29 : memref<16x128xf32, #tpu.memory_space<vmem>>)
      %dma_wait3A_696 = arith.constant 0 : i32
      %dma_wait3A_697 = arith.constant 0 : i32
      %dma_wait3A_698 = tpu.memref_slice %arg5[%dma_wait3A_696, %dma_wait3A_697] : memref<16x1000000xf32, #tpu.memory_space<hbm>> -> memref<16x128xf32, #tpu.memory_space<hbm>>
      %dma_wait3A_699 = arith.constant 0 : i32
      %dma_wait3A_700 = arith.constant 0 : i32
      %dma_wait3A_701 = tpu.memref_slice %arg5[%dma_wait3A_699, %dma_wait3A_700] : memref<16x1000000xf32, #tpu.memory_space<hbm>> -> memref<16x128xf32, #tpu.memory_space<hbm>>
      tpu.wait_dma2 semaphore(%arg16 : memref<!tpu.dma_semaphore, #tpu.memory_space<semaphore_mem>>) src(%dma_wait3A_701 : memref<16x128xf32, #tpu.memory_space<hbm>>) dst(%arg45 : memref<16x128xf32, #tpu.memory_space<vmem>>)
      %dma_wait3A_702 = arith.constant 0 : i32
      %dma_wait3A_703 = arith.constant 0 : i32
      %dma_wait3A_704 = tpu.memref_slice %arg4[%dma_wait3A_702, %dma_wait3A_703] : memref<16x1000000xf32, #tpu.memory_space<hbm>> -> memref<16x128xf32, #tpu.memory_space<hbm>>
      %dma_wait3A_705 = arith.constant 0 : i32
      %dma_wait3A_706 = arith.constant 0 : i32
      %dma_wait3A_707 = tpu.memref_slice %arg4[%dma_wait3A_705, %dma_wait3A_706] : memref<16x1000000xf32, #tpu.memory_space<hbm>> -> memref<16x128xf32, #tpu.memory_space<hbm>>
      tpu.wait_dma2 semaphore(%arg16 : memref<!tpu.dma_semaphore, #tpu.memory_space<semaphore_mem>>) src(%dma_wait3A_707 : memref<16x128xf32, #tpu.memory_space<hbm>>) dst(%arg30 : memref<16x128xf32, #tpu.memory_space<vmem>>)
      %dma_wait3A_708 = arith.constant 0 : i32
      %dma_wait3A_709 = arith.constant 0 : i32
      %dma_wait3A_710 = tpu.memref_slice %arg5[%dma_wait3A_708, %dma_wait3A_709] : memref<16x1000000xf32, #tpu.memory_space<hbm>> -> memref<16x128xf32, #tpu.memory_space<hbm>>
      %dma_wait3A_711 = arith.constant 0 : i32
      %dma_wait3A_712 = arith.constant 0 : i32
      %dma_wait3A_713 = tpu.memref_slice %arg5[%dma_wait3A_711, %dma_wait3A_712] : memref<16x1000000xf32, #tpu.memory_space<hbm>> -> memref<16x128xf32, #tpu.memory_space<hbm>>
      tpu.wait_dma2 semaphore(%arg16 : memref<!tpu.dma_semaphore, #tpu.memory_space<semaphore_mem>>) src(%dma_wait3A_713 : memref<16x128xf32, #tpu.memory_space<hbm>>) dst(%arg46 : memref<16x128xf32, #tpu.memory_space<vmem>>)
      %dma_wait3A_714 = arith.constant 0 : i32
      %dma_wait3A_715 = arith.constant 0 : i32
      %dma_wait3A_716 = tpu.memref_slice %arg4[%dma_wait3A_714, %dma_wait3A_715] : memref<16x1000000xf32, #tpu.memory_space<hbm>> -> memref<16x128xf32, #tpu.memory_space<hbm>>
      %dma_wait3A_717 = arith.constant 0 : i32
      %dma_wait3A_718 = arith.constant 0 : i32
      %dma_wait3A_719 = tpu.memref_slice %arg4[%dma_wait3A_717, %dma_wait3A_718] : memref<16x1000000xf32, #tpu.memory_space<hbm>> -> memref<16x128xf32, #tpu.memory_space<hbm>>
      tpu.wait_dma2 semaphore(%arg16 : memref<!tpu.dma_semaphore, #tpu.memory_space<semaphore_mem>>) src(%dma_wait3A_719 : memref<16x128xf32, #tpu.memory_space<hbm>>) dst(%arg31 : memref<16x128xf32, #tpu.memory_space<vmem>>)
      %dma_wait3A_720 = arith.constant 0 : i32
      %dma_wait3A_721 = arith.constant 0 : i32
      %dma_wait3A_722 = tpu.memref_slice %arg5[%dma_wait3A_720, %dma_wait3A_721] : memref<16x1000000xf32, #tpu.memory_space<hbm>> -> memref<16x128xf32, #tpu.memory_space<hbm>>
      %dma_wait3A_723 = arith.constant 0 : i32
      %dma_wait3A_724 = arith.constant 0 : i32
      %dma_wait3A_725 = tpu.memref_slice %arg5[%dma_wait3A_723, %dma_wait3A_724] : memref<16x1000000xf32, #tpu.memory_space<hbm>> -> memref<16x128xf32, #tpu.memory_space<hbm>>
      tpu.wait_dma2 semaphore(%arg16 : memref<!tpu.dma_semaphore, #tpu.memory_space<semaphore_mem>>) src(%dma_wait3A_725 : memref<16x128xf32, #tpu.memory_space<hbm>>) dst(%arg47 : memref<16x128xf32, #tpu.memory_space<vmem>>)
      %dma_wait3A_726 = arith.constant 0 : i32
      %dma_wait3A_727 = arith.constant 0 : i32
      %dma_wait3A_728 = tpu.memref_slice %arg4[%dma_wait3A_726, %dma_wait3A_727] : memref<16x1000000xf32, #tpu.memory_space<hbm>> -> memref<16x128xf32, #tpu.memory_space<hbm>>
      %dma_wait3A_729 = arith.constant 0 : i32
      %dma_wait3A_730 = arith.constant 0 : i32
      %dma_wait3A_731 = tpu.memref_slice %arg4[%dma_wait3A_729, %dma_wait3A_730] : memref<16x1000000xf32, #tpu.memory_space<hbm>> -> memref<16x128xf32, #tpu.memory_space<hbm>>
      tpu.wait_dma2 semaphore(%arg16 : memref<!tpu.dma_semaphore, #tpu.memory_space<semaphore_mem>>) src(%dma_wait3A_731 : memref<16x128xf32, #tpu.memory_space<hbm>>) dst(%arg32 : memref<16x128xf32, #tpu.memory_space<vmem>>)
      %dma_wait3A_732 = arith.constant 0 : i32
      %dma_wait3A_733 = arith.constant 0 : i32
      %dma_wait3A_734 = tpu.memref_slice %arg5[%dma_wait3A_732, %dma_wait3A_733] : memref<16x1000000xf32, #tpu.memory_space<hbm>> -> memref<16x128xf32, #tpu.memory_space<hbm>>
      %dma_wait3A_735 = arith.constant 0 : i32
      %dma_wait3A_736 = arith.constant 0 : i32
      %dma_wait3A_737 = tpu.memref_slice %arg5[%dma_wait3A_735, %dma_wait3A_736] : memref<16x1000000xf32, #tpu.memory_space<hbm>> -> memref<16x128xf32, #tpu.memory_space<hbm>>
      tpu.wait_dma2 semaphore(%arg16 : memref<!tpu.dma_semaphore, #tpu.memory_space<semaphore_mem>>) src(%dma_wait3A_737 : memref<16x128xf32, #tpu.memory_space<hbm>>) dst(%arg48 : memref<16x128xf32, #tpu.memory_space<vmem>>)
      %mul3A_738 = arith.constant 16 : i32
      %mul3A_739 = arith.muli %scan3A_177, %mul3A_738 : i32
      %get3A_740 = arith.index_cast %mul3A_739 : i32 to index
      %get3A_741 = tpu.vector_load %arg9[%get3A_740] {strides = array<i32>} : memref<512xi32, #tpu.memory_space<vmem>>, vector<16xi32>,
      %mul3A_742 = arith.constant 16 : i32
      %mul3A_743 = arith.muli %scan3A_177, %mul3A_742 : i32
      %get3A_744 = arith.index_cast %mul3A_743 : i32 to index
      %get3A_745 = tpu.vector_load %arg10[%get3A_744] {strides = array<i32>} : memref<512xi32, #tpu.memory_space<vmem>>, vector<16xi32>,
      %mul3A_746 = arith.constant 16 : i32
      %mul3A_747 = arith.muli %scan3A_177, %mul3A_746 : i32
      %add3A_748 = arith.constant 8 : i32
      %add3A_749 = arith.addi %mul3A_747, %add3A_748 : i32
      %add3A_750 = arith.constant 0 : i32
      %add3A_751 = arith.addi %add3A_749, %add3A_750 : i32
      %slice3A_752 = vector.extract_strided_slice %get3A_741 {offsets = [8], sizes = [1], strides = [1]} : vector<16xi32> to vector<1xi32>
      %squeeze3A_753 = vector.extract %slice3A_752[0] : i32 from vector<1xi32>
      %slice3A_754 = vector.extract_strided_slice %get3A_745 {offsets = [8], sizes = [1], strides = [1]} : vector<16xi32> to vector<1xi32>
      %squeeze3A_755 = vector.extract %slice3A_754[0] : i32 from vector<1xi32>
      %and3A_756 = arith.constant 127 : i32
      %and3A_757 = arith.andi %squeeze3A_753, %and3A_756 : i32
      %broadcast_in_dim3A_758 = vector.broadcast %and3A_757 : i32 to vector<16xi32>
      %and3A_759 = arith.constant 127 : i32
      %and3A_760 = arith.andi %squeeze3A_755, %and3A_759 : i32
      %broadcast_in_dim3A_761 = vector.broadcast %and3A_760 : i32 to vector<16xi32>
      %gather3A_762 = tpu.vector_load_idx %arg25[%iota3A, %broadcast_in_dim3A_758] : memref<16x128xf32, #tpu.memory_space<vmem>>[vector<16xi32>, vector<16xi32>], vector<16xf32>,
      %gather3A_763 = tpu.vector_load_idx %arg41[%iota3A, %broadcast_in_dim3A_761] : memref<16x128xf32, #tpu.memory_space<vmem>>[vector<16xi32>, vector<16xi32>], vector<16xf32>,
      %mul3A_764 = arith.constant 512 : i32
      %mul3A_765 = vector.broadcast %mul3A_764 : i32 to vector<16xi32>
      %mul3A_766 = arith.muli %iota3A, %mul3A_765 : vector<16xi32>
      %add3A_767 = vector.broadcast %add3A_751 : i32 to vector<16xi32>
      %add3A_768 = arith.addi %mul3A_766, %add3A_767 : vector<16xi32>
      %mul3A_769 = arith.mulf %gather3A_762, %gather3A_763 : vector<16xf32>
      tpu.vector_store_idx %arg11[%add3A_768], %mul3A_769 : memref<8192xf32, #tpu.memory_space<vmem>>[vector<16xi32>], vector<16xf32>,
      %mul3A_770 = arith.constant 16 : i32
      %mul3A_771 = arith.muli %scan3A_177, %mul3A_770 : i32
      %add3A_772 = arith.constant 8 : i32
      %add3A_773 = arith.addi %mul3A_771, %add3A_772 : i32
      %add3A_774 = arith.constant 1 : i32
      %add3A_775 = arith.addi %add3A_773, %add3A_774 : i32
      %slice3A_776 = vector.extract_strided_slice %get3A_741 {offsets = [9], sizes = [1], strides = [1]} : vector<16xi32> to vector<1xi32>
      %squeeze3A_777 = vector.extract %slice3A_776[0] : i32 from vector<1xi32>
      %slice3A_778 = vector.extract_strided_slice %get3A_745 {offsets = [9], sizes = [1], strides = [1]} : vector<16xi32> to vector<1xi32>
      %squeeze3A_779 = vector.extract %slice3A_778[0] : i32 from vector<1xi32>
      %and3A_780 = arith.constant 127 : i32
      %and3A_781 = arith.andi %squeeze3A_777, %and3A_780 : i32
      %broadcast_in_dim3A_782 = vector.broadcast %and3A_781 : i32 to vector<16xi32>
      %and3A_783 = arith.constant 127 : i32
      %and3A_784 = arith.andi %squeeze3A_779, %and3A_783 : i32
      %broadcast_in_dim3A_785 = vector.broadcast %and3A_784 : i32 to vector<16xi32>
      %gather3A_786 = tpu.vector_load_idx %arg26[%iota3A, %broadcast_in_dim3A_782] : memref<16x128xf32, #tpu.memory_space<vmem>>[vector<16xi32>, vector<16xi32>], vector<16xf32>,
      %gather3A_787 = tpu.vector_load_idx %arg42[%iota3A, %broadcast_in_dim3A_785] : memref<16x128xf32, #tpu.memory_space<vmem>>[vector<16xi32>, vector<16xi32>], vector<16xf32>,
      %mul3A_788 = arith.constant 512 : i32
      %mul3A_789 = vector.broadcast %mul3A_788 : i32 to vector<16xi32>
      %mul3A_790 = arith.muli %iota3A, %mul3A_789 : vector<16xi32>
      %add3A_791 = vector.broadcast %add3A_775 : i32 to vector<16xi32>
      %add3A_792 = arith.addi %mul3A_790, %add3A_791 : vector<16xi32>
      %mul3A_793 = arith.mulf %gather3A_786, %gather3A_787 : vector<16xf32>
      tpu.vector_store_idx %arg11[%add3A_792], %mul3A_793 : memref<8192xf32, #tpu.memory_space<vmem>>[vector<16xi32>], vector<16xf32>,
      %mul3A_794 = arith.constant 16 : i32
      %mul3A_795 = arith.muli %scan3A_177, %mul3A_794 : i32
      %add3A_796 = arith.constant 8 : i32
      %add3A_797 = arith.addi %mul3A_795, %add3A_796 : i32
      %add3A_798 = arith.constant 2 : i32
      %add3A_799 = arith.addi %add3A_797, %add3A_798 : i32
      %slice3A_800 = vector.extract_strided_slice %get3A_741 {offsets = [10], sizes = [1], strides = [1]} : vector<16xi32> to vector<1xi32>
      %squeeze3A_801 = vector.extract %slice3A_800[0] : i32 from vector<1xi32>
      %slice3A_802 = vector.extract_strided_slice %get3A_745 {offsets = [10], sizes = [1], strides = [1]} : vector<16xi32> to vector<1xi32>
      %squeeze3A_803 = vector.extract %slice3A_802[0] : i32 from vector<1xi32>
      %and3A_804 = arith.constant 127 : i32
      %and3A_805 = arith.andi %squeeze3A_801, %and3A_804 : i32
      %broadcast_in_dim3A_806 = vector.broadcast %and3A_805 : i32 to vector<16xi32>
      %and3A_807 = arith.constant 127 : i32
      %and3A_808 = arith.andi %squeeze3A_803, %and3A_807 : i32
      %broadcast_in_dim3A_809 = vector.broadcast %and3A_808 : i32 to vector<16xi32>
      %gather3A_810 = tpu.vector_load_idx %arg27[%iota3A, %broadcast_in_dim3A_806] : memref<16x128xf32, #tpu.memory_space<vmem>>[vector<16xi32>, vector<16xi32>], vector<16xf32>,
      %gather3A_811 = tpu.vector_load_idx %arg43[%iota3A, %broadcast_in_dim3A_809] : memref<16x128xf32, #tpu.memory_space<vmem>>[vector<16xi32>, vector<16xi32>], vector<16xf32>,
      %mul3A_812 = arith.constant 512 : i32
      %mul3A_813 = vector.broadcast %mul3A_812 : i32 to vector<16xi32>
      %mul3A_814 = arith.muli %iota3A, %mul3A_813 : vector<16xi32>
      %add3A_815 = vector.broadcast %add3A_799 : i32 to vector<16xi32>
      %add3A_816 = arith.addi %mul3A_814, %add3A_815 : vector<16xi32>
      %mul3A_817 = arith.mulf %gather3A_810, %gather3A_811 : vector<16xf32>
      tpu.vector_store_idx %arg11[%add3A_816], %mul3A_817 : memref<8192xf32, #tpu.memory_space<vmem>>[vector<16xi32>], vector<16xf32>,
      %mul3A_818 = arith.constant 16 : i32
      %mul3A_819 = arith.muli %scan3A_177, %mul3A_818 : i32
      %add3A_820 = arith.constant 8 : i32
      %add3A_821 = arith.addi %mul3A_819, %add3A_820 : i32
      %add3A_822 = arith.constant 3 : i32
      %add3A_823 = arith.addi %add3A_821, %add3A_822 : i32
      %slice3A_824 = vector.extract_strided_slice %get3A_741 {offsets = [11], sizes = [1], strides = [1]} : vector<16xi32> to vector<1xi32>
      %squeeze3A_825 = vector.extract %slice3A_824[0] : i32 from vector<1xi32>
      %slice3A_826 = vector.extract_strided_slice %get3A_745 {offsets = [11], sizes = [1], strides = [1]} : vector<16xi32> to vector<1xi32>
      %squeeze3A_827 = vector.extract %slice3A_826[0] : i32 from vector<1xi32>
      %and3A_828 = arith.constant 127 : i32
      %and3A_829 = arith.andi %squeeze3A_825, %and3A_828 : i32
      %broadcast_in_dim3A_830 = vector.broadcast %and3A_829 : i32 to vector<16xi32>
      %and3A_831 = arith.constant 127 : i32
      %and3A_832 = arith.andi %squeeze3A_827, %and3A_831 : i32
      %broadcast_in_dim3A_833 = vector.broadcast %and3A_832 : i32 to vector<16xi32>
      %gather3A_834 = tpu.vector_load_idx %arg28[%iota3A, %broadcast_in_dim3A_830] : memref<16x128xf32, #tpu.memory_space<vmem>>[vector<16xi32>, vector<16xi32>], vector<16xf32>,
      %gather3A_835 = tpu.vector_load_idx %arg44[%iota3A, %broadcast_in_dim3A_833] : memref<16x128xf32, #tpu.memory_space<vmem>>[vector<16xi32>, vector<16xi32>], vector<16xf32>,
      %mul3A_836 = arith.constant 512 : i32
      %mul3A_837 = vector.broadcast %mul3A_836 : i32 to vector<16xi32>
      %mul3A_838 = arith.muli %iota3A, %mul3A_837 : vector<16xi32>
      %add3A_839 = vector.broadcast %add3A_823 : i32 to vector<16xi32>
      %add3A_840 = arith.addi %mul3A_838, %add3A_839 : vector<16xi32>
      %mul3A_841 = arith.mulf %gather3A_834, %gather3A_835 : vector<16xf32>
      tpu.vector_store_idx %arg11[%add3A_840], %mul3A_841 : memref<8192xf32, #tpu.memory_space<vmem>>[vector<16xi32>], vector<16xf32>,
      %mul3A_842 = arith.constant 16 : i32
      %mul3A_843 = arith.muli %scan3A_177, %mul3A_842 : i32
      %add3A_844 = arith.constant 8 : i32
      %add3A_845 = arith.addi %mul3A_843, %add3A_844 : i32
      %add3A_846 = arith.constant 4 : i32
      %add3A_847 = arith.addi %add3A_845, %add3A_846 : i32
      %slice3A_848 = vector.extract_strided_slice %get3A_741 {offsets = [12], sizes = [1], strides = [1]} : vector<16xi32> to vector<1xi32>
      %squeeze3A_849 = vector.extract %slice3A_848[0] : i32 from vector<1xi32>
      %slice3A_850 = vector.extract_strided_slice %get3A_745 {offsets = [12], sizes = [1], strides = [1]} : vector<16xi32> to vector<1xi32>
      %squeeze3A_851 = vector.extract %slice3A_850[0] : i32 from vector<1xi32>
      %and3A_852 = arith.constant 127 : i32
      %and3A_853 = arith.andi %squeeze3A_849, %and3A_852 : i32
      %broadcast_in_dim3A_854 = vector.broadcast %and3A_853 : i32 to vector<16xi32>
      %and3A_855 = arith.constant 127 : i32
      %and3A_856 = arith.andi %squeeze3A_851, %and3A_855 : i32
      %broadcast_in_dim3A_857 = vector.broadcast %and3A_856 : i32 to vector<16xi32>
      %gather3A_858 = tpu.vector_load_idx %arg29[%iota3A, %broadcast_in_dim3A_854] : memref<16x128xf32, #tpu.memory_space<vmem>>[vector<16xi32>, vector<16xi32>], vector<16xf32>,
      %gather3A_859 = tpu.vector_load_idx %arg45[%iota3A, %broadcast_in_dim3A_857] : memref<16x128xf32, #tpu.memory_space<vmem>>[vector<16xi32>, vector<16xi32>], vector<16xf32>,
      %mul3A_860 = arith.constant 512 : i32
      %mul3A_861 = vector.broadcast %mul3A_860 : i32 to vector<16xi32>
      %mul3A_862 = arith.muli %iota3A, %mul3A_861 : vector<16xi32>
      %add3A_863 = vector.broadcast %add3A_847 : i32 to vector<16xi32>
      %add3A_864 = arith.addi %mul3A_862, %add3A_863 : vector<16xi32>
      %mul3A_865 = arith.mulf %gather3A_858, %gather3A_859 : vector<16xf32>
      tpu.vector_store_idx %arg11[%add3A_864], %mul3A_865 : memref<8192xf32, #tpu.memory_space<vmem>>[vector<16xi32>], vector<16xf32>,
      %mul3A_866 = arith.constant 16 : i32
      %mul3A_867 = arith.muli %scan3A_177, %mul3A_866 : i32
      %add3A_868 = arith.constant 8 : i32
      %add3A_869 = arith.addi %mul3A_867, %add3A_868 : i32
      %add3A_870 = arith.constant 5 : i32
      %add3A_871 = arith.addi %add3A_869, %add3A_870 : i32
      %slice3A_872 = vector.extract_strided_slice %get3A_741 {offsets = [13], sizes = [1], strides = [1]} : vector<16xi32> to vector<1xi32>
      %squeeze3A_873 = vector.extract %slice3A_872[0] : i32 from vector<1xi32>
      %slice3A_874 = vector.extract_strided_slice %get3A_745 {offsets = [13], sizes = [1], strides = [1]} : vector<16xi32> to vector<1xi32>
      %squeeze3A_875 = vector.extract %slice3A_874[0] : i32 from vector<1xi32>
      %and3A_876 = arith.constant 127 : i32
      %and3A_877 = arith.andi %squeeze3A_873, %and3A_876 : i32
      %broadcast_in_dim3A_878 = vector.broadcast %and3A_877 : i32 to vector<16xi32>
      %and3A_879 = arith.constant 127 : i32
      %and3A_880 = arith.andi %squeeze3A_875, %and3A_879 : i32
      %broadcast_in_dim3A_881 = vector.broadcast %and3A_880 : i32 to vector<16xi32>
      %gather3A_882 = tpu.vector_load_idx %arg30[%iota3A, %broadcast_in_dim3A_878] : memref<16x128xf32, #tpu.memory_space<vmem>>[vector<16xi32>, vector<16xi32>], vector<16xf32>,
      %gather3A_883 = tpu.vector_load_idx %arg46[%iota3A, %broadcast_in_dim3A_881] : memref<16x128xf32, #tpu.memory_space<vmem>>[vector<16xi32>, vector<16xi32>], vector<16xf32>,
      %mul3A_884 = arith.constant 512 : i32
      %mul3A_885 = vector.broadcast %mul3A_884 : i32 to vector<16xi32>
      %mul3A_886 = arith.muli %iota3A, %mul3A_885 : vector<16xi32>
      %add3A_887 = vector.broadcast %add3A_871 : i32 to vector<16xi32>
      %add3A_888 = arith.addi %mul3A_886, %add3A_887 : vector<16xi32>
      %mul3A_889 = arith.mulf %gather3A_882, %gather3A_883 : vector<16xf32>
      tpu.vector_store_idx %arg11[%add3A_888], %mul3A_889 : memref<8192xf32, #tpu.memory_space<vmem>>[vector<16xi32>], vector<16xf32>,
      %mul3A_890 = arith.constant 16 : i32
      %mul3A_891 = arith.muli %scan3A_177, %mul3A_890 : i32
      %add3A_892 = arith.constant 8 : i32
      %add3A_893 = arith.addi %mul3A_891, %add3A_892 : i32
      %add3A_894 = arith.constant 6 : i32
      %add3A_895 = arith.addi %add3A_893, %add3A_894 : i32
      %slice3A_896 = vector.extract_strided_slice %get3A_741 {offsets = [14], sizes = [1], strides = [1]} : vector<16xi32> to vector<1xi32>
      %squeeze3A_897 = vector.extract %slice3A_896[0] : i32 from vector<1xi32>
      %slice3A_898 = vector.extract_strided_slice %get3A_745 {offsets = [14], sizes = [1], strides = [1]} : vector<16xi32> to vector<1xi32>
      %squeeze3A_899 = vector.extract %slice3A_898[0] : i32 from vector<1xi32>
      %and3A_900 = arith.constant 127 : i32
      %and3A_901 = arith.andi %squeeze3A_897, %and3A_900 : i32
      %broadcast_in_dim3A_902 = vector.broadcast %and3A_901 : i32 to vector<16xi32>
      %and3A_903 = arith.constant 127 : i32
      %and3A_904 = arith.andi %squeeze3A_899, %and3A_903 : i32
      %broadcast_in_dim3A_905 = vector.broadcast %and3A_904 : i32 to vector<16xi32>
      %gather3A_906 = tpu.vector_load_idx %arg31[%iota3A, %broadcast_in_dim3A_902] : memref<16x128xf32, #tpu.memory_space<vmem>>[vector<16xi32>, vector<16xi32>], vector<16xf32>,
      %gather3A_907 = tpu.vector_load_idx %arg47[%iota3A, %broadcast_in_dim3A_905] : memref<16x128xf32, #tpu.memory_space<vmem>>[vector<16xi32>, vector<16xi32>], vector<16xf32>,
      %mul3A_908 = arith.constant 512 : i32
      %mul3A_909 = vector.broadcast %mul3A_908 : i32 to vector<16xi32>
      %mul3A_910 = arith.muli %iota3A, %mul3A_909 : vector<16xi32>
      %add3A_911 = vector.broadcast %add3A_895 : i32 to vector<16xi32>
      %add3A_912 = arith.addi %mul3A_910, %add3A_911 : vector<16xi32>
      %mul3A_913 = arith.mulf %gather3A_906, %gather3A_907 : vector<16xf32>
      tpu.vector_store_idx %arg11[%add3A_912], %mul3A_913 : memref<8192xf32, #tpu.memory_space<vmem>>[vector<16xi32>], vector<16xf32>,
      %mul3A_914 = arith.constant 16 : i32
      %mul3A_915 = arith.muli %scan3A_177, %mul3A_914 : i32
      %add3A_916 = arith.constant 8 : i32
      %add3A_917 = arith.addi %mul3A_915, %add3A_916 : i32
      %add3A_918 = arith.constant 7 : i32
      %add3A_919 = arith.addi %add3A_917, %add3A_918 : i32
      %slice3A_920 = vector.extract_strided_slice %get3A_741 {offsets = [15], sizes = [1], strides = [1]} : vector<16xi32> to vector<1xi32>
      %squeeze3A_921 = vector.extract %slice3A_920[0] : i32 from vector<1xi32>
      %slice3A_922 = vector.extract_strided_slice %get3A_745 {offsets = [15], sizes = [1], strides = [1]} : vector<16xi32> to vector<1xi32>
      %squeeze3A_923 = vector.extract %slice3A_922[0] : i32 from vector<1xi32>
      %and3A_924 = arith.constant 127 : i32
      %and3A_925 = arith.andi %squeeze3A_921, %and3A_924 : i32
      %broadcast_in_dim3A_926 = vector.broadcast %and3A_925 : i32 to vector<16xi32>
      %and3A_927 = arith.constant 127 : i32
      %and3A_928 = arith.andi %squeeze3A_923, %and3A_927 : i32
      %broadcast_in_dim3A_929 = vector.broadcast %and3A_928 : i32 to vector<16xi32>
      %gather3A_930 = tpu.vector_load_idx %arg32[%iota3A, %broadcast_in_dim3A_926] : memref<16x128xf32, #tpu.memory_space<vmem>>[vector<16xi32>, vector<16xi32>], vector<16xf32>,
      %gather3A_931 = tpu.vector_load_idx %arg48[%iota3A, %broadcast_in_dim3A_929] : memref<16x128xf32, #tpu.memory_space<vmem>>[vector<16xi32>, vector<16xi32>], vector<16xf32>,
      %mul3A_932 = arith.constant 512 : i32
      %mul3A_933 = vector.broadcast %mul3A_932 : i32 to vector<16xi32>
      %mul3A_934 = arith.muli %iota3A, %mul3A_933 : vector<16xi32>
      %add3A_935 = vector.broadcast %add3A_919 : i32 to vector<16xi32>
      %add3A_936 = arith.addi %mul3A_934, %add3A_935 : vector<16xi32>
      %mul3A_937 = arith.mulf %gather3A_930, %gather3A_931 : vector<16xf32>
      tpu.vector_store_idx %arg11[%add3A_936], %mul3A_937 : memref<8192xf32, #tpu.memory_space<vmem>>[vector<16xi32>], vector<16xf32>,
    }
    %scan3A_166 = arith.constant 32 : i32
    %get3A_167 = arith.constant 0 : index
    %get3A_168 = tpu.vector_load %arg13[%get3A_167] {strides = array<i32>} : memref<16xf32, #tpu.memory_space<vmem>>, vector<16xf32>,
    %get3A_169 = arith.constant 0 : index
    %get3A_170 = tpu.vector_load %arg14[%get3A_169] {strides = array<i32>} : memref<16xf32, #tpu.memory_space<vmem>>, vector<16xf32>,
    %scan3A_171 = arith.constant 0 : i32
    %scan3A_172 = arith.constant 0 : i32
    %scan3A_173 = arith.constant 32 : i32
    %scan3A_174 = arith.addi %scan3A_172, %scan3A_173 : i32
    %scan3A_175 = arith.constant 1 : i32
    scf.for %scan3A_177 = %scan3A_172 to %scan3A_174 step %scan3A_175  : i32 {
      %mul3A_178 = arith.constant 16 : i32
      %mul3A_179 = arith.muli %scan3A_177, %mul3A_178 : i32
      %get3A_180 = arith.index_cast %mul3A_179 : i32 to index
      %get3A_181 = tpu.vector_load %arg11[%get3A_180] {strides = array<i32>} : memref<8192xf32, #tpu.memory_space<vmem>>, vector<16xf32>,
      %mul3A_182 = arith.constant 16 : i32
      %mul3A_183 = arith.muli %scan3A_177, %mul3A_182 : i32
      %add3A_184 = arith.constant 512 : i32
      %add3A_185 = arith.addi %add3A_184, %mul3A_183 : i32
      %get3A_186 = arith.index_cast %add3A_185 : i32 to index
      %get3A_187 = tpu.vector_load %arg11[%get3A_186] {strides = array<i32>} : memref<8192xf32, #tpu.memory_space<vmem>>, vector<16xf32>,
      %add3A_188 = arith.addf %get3A_181, %get3A_187 : vector<16xf32>
      %mul3A_189 = arith.constant 16 : i32
      %mul3A_190 = arith.muli %scan3A_177, %mul3A_189 : i32
      %add3A_191 = arith.constant 1024 : i32
      %add3A_192 = arith.addi %add3A_191, %mul3A_190 : i32
      %get3A_193 = arith.index_cast %add3A_192 : i32 to index
      %get3A_194 = tpu.vector_load %arg11[%get3A_193] {strides = array<i32>} : memref<8192xf32, #tpu.memory_space<vmem>>, vector<16xf32>,
      %add3A_195 = arith.addf %add3A_188, %get3A_194 : vector<16xf32>
      %mul3A_196 = arith.constant 16 : i32
      %mul3A_197 = arith.muli %scan3A_177, %mul3A_196 : i32
      %add3A_198 = arith.constant 1536 : i32
      %add3A_199 = arith.addi %add3A_198, %mul3A_197 : i32
      %get3A_200 = arith.index_cast %add3A_199 : i32 to index
      %get3A_201 = tpu.vector_load %arg11[%get3A_200] {strides = array<i32>} : memref<8192xf32, #tpu.memory_space<vmem>>, vector<16xf32>,
      %add3A_202 = arith.addf %add3A_195, %get3A_201 : vector<16xf32>
      %mul3A_203 = arith.constant 16 : i32
      %mul3A_204 = arith.muli %scan3A_177, %mul3A_203 : i32
      %add3A_205 = arith.constant 2048 : i32
      %add3A_206 = arith.addi %add3A_205, %mul3A_204 : i32
      %get3A_207 = arith.index_cast %add3A_206 : i32 to index
      %get3A_208 = tpu.vector_load %arg11[%get3A_207] {strides = array<i32>} : memref<8192xf32, #tpu.memory_space<vmem>>, vector<16xf32>,
      %add3A_209 = arith.addf %add3A_202, %get3A_208 : vector<16xf32>
      %mul3A_210 = arith.constant 16 : i32
      %mul3A_211 = arith.muli %scan3A_177, %mul3A_210 : i32
      %add3A_212 = arith.constant 2560 : i32
      %add3A_213 = arith.addi %add3A_212, %mul3A_211 : i32
      %get3A_214 = arith.index_cast %add3A_213 : i32 to index
      %get3A_215 = tpu.vector_load %arg11[%get3A_214] {strides = array<i32>} : memref<8192xf32, #tpu.memory_space<vmem>>, vector<16xf32>,
      %add3A_216 = arith.addf %add3A_209, %get3A_215 : vector<16xf32>
      %mul3A_217 = arith.constant 16 : i32
      %mul3A_218 = arith.muli %scan3A_177, %mul3A_217 : i32
      %add3A_219 = arith.constant 3072 : i32
      %add3A_220 = arith.addi %add3A_219, %mul3A_218 : i32
      %get3A_221 = arith.index_cast %add3A_220 : i32 to index
      %get3A_222 = tpu.vector_load %arg11[%get3A_221] {strides = array<i32>} : memref<8192xf32, #tpu.memory_space<vmem>>, vector<16xf32>,
      %add3A_223 = arith.addf %add3A_216, %get3A_222 : vector<16xf32>
      %mul3A_224 = arith.constant 16 : i32
      %mul3A_225 = arith.muli %scan3A_177, %mul3A_224 : i32
      %add3A_226 = arith.constant 3584 : i32
      %add3A_227 = arith.addi %add3A_226, %mul3A_225 : i32
      %get3A_228 = arith.index_cast %add3A_227 : i32 to index
      %get3A_229 = tpu.vector_load %arg11[%get3A_228] {strides = array<i32>} : memref<8192xf32, #tpu.memory_space<vmem>>, vector<16xf32>,
      %add3A_230 = arith.addf %add3A_223, %get3A_229 : vector<16xf32>
      %mul3A_231 = arith.constant 16 : i32
      %mul3A_232 = arith.muli %scan3A_177, %mul3A_231 : i32
      %add3A_233 = arith.constant 4096 : i32
      %add3A_234 = arith.addi %add3A_233, %mul3A_232 : i32
      %get3A_235 = arith.index_cast %add3A_234 : i32 to index
      %get3A_236 = tpu.vector_load %arg11[%get3A_235] {strides = array<i32>} : memref<8192xf32, #tpu.memory_space<vmem>>, vector<16xf32>,
      %add3A_237 = arith.addf %add3A_230, %get3A_236 : vector<16xf32>
      %mul3A_238 = arith.constant 16 : i32
      %mul3A_239 = arith.muli %scan3A_177, %mul3A_238 : i32
      %add3A_240 = arith.constant 4608 : i32
      %add3A_241 = arith.addi %add3A_240, %mul3A_239 : i32
      %get3A_242 = arith.index_cast %add3A_241 : i32 to index
      %get3A_243 = tpu.vector_load %arg11[%get3A_242] {strides = array<i32>} : memref<8192xf32, #tpu.memory_space<vmem>>, vector<16xf32>,
      %add3A_244 = arith.addf %add3A_237, %get3A_243 : vector<16xf32>
      %mul3A_245 = arith.constant 16 : i32
      %mul3A_246 = arith.muli %scan3A_177, %mul3A_245 : i32
      %add3A_247 = arith.constant 5120 : i32
      %add3A_248 = arith.addi %add3A_247, %mul3A_246 : i32
      %get3A_249 = arith.index_cast %add3A_248 : i32 to index
      %get3A_250 = tpu.vector_load %arg11[%get3A_249] {strides = array<i32>} : memref<8192xf32, #tpu.memory_space<vmem>>, vector<16xf32>,
      %add3A_251 = arith.addf %add3A_244, %get3A_250 : vector<16xf32>
      %mul3A_252 = arith.constant 16 : i32
      %mul3A_253 = arith.muli %scan3A_177, %mul3A_252 : i32
      %add3A_254 = arith.constant 5632 : i32
      %add3A_255 = arith.addi %add3A_254, %mul3A_253 : i32
      %get3A_256 = arith.index_cast %add3A_255 : i32 to index
      %get3A_257 = tpu.vector_load %arg11[%get3A_256] {strides = array<i32>} : memref<8192xf32, #tpu.memory_space<vmem>>, vector<16xf32>,
      %add3A_258 = arith.addf %add3A_251, %get3A_257 : vector<16xf32>
      %mul3A_259 = arith.constant 16 : i32
      %mul3A_260 = arith.muli %scan3A_177, %mul3A_259 : i32
      %add3A_261 = arith.constant 6144 : i32
      %add3A_262 = arith.addi %add3A_261, %mul3A_260 : i32
      %get3A_263 = arith.index_cast %add3A_262 : i32 to index
      %get3A_264 = tpu.vector_load %arg11[%get3A_263] {strides = array<i32>} : memref<8192xf32, #tpu.memory_space<vmem>>, vector<16xf32>,
      %add3A_265 = arith.addf %add3A_258, %get3A_264 : vector<16xf32>
      %mul3A_266 = arith.constant 16 : i32
      %mul3A_267 = arith.muli %scan3A_177, %mul3A_266 : i32
      %add3A_268 = arith.constant 6656 : i32
      %add3A_269 = arith.addi %add3A_268, %mul3A_267 : i32
      %get3A_270 = arith.index_cast %add3A_269 : i32 to index
      %get3A_271 = tpu.vector_load %arg11[%get3A_270] {strides = array<i32>} : memref<8192xf32, #tpu.memory_space<vmem>>, vector<16xf32>,
      %add3A_272 = arith.addf %add3A_265, %get3A_271 : vector<16xf32>
      %mul3A_273 = arith.constant 16 : i32
      %mul3A_274 = arith.muli %scan3A_177, %mul3A_273 : i32
      %add3A_275 = arith.constant 7168 : i32
      %add3A_276 = arith.addi %add3A_275, %mul3A_274 : i32
      %get3A_277 = arith.index_cast %add3A_276 : i32 to index
      %get3A_278 = tpu.vector_load %arg11[%get3A_277] {strides = array<i32>} : memref<8192xf32, #tpu.memory_space<vmem>>, vector<16xf32>,
      %add3A_279 = arith.addf %add3A_272, %get3A_278 : vector<16xf32>
      %mul3A_280 = arith.constant 16 : i32
      %mul3A_281 = arith.muli %scan3A_177, %mul3A_280 : i32
      %add3A_282 = arith.constant 7680 : i32
      %add3A_283 = arith.addi %add3A_282, %mul3A_281 : i32
      %get3A_284 = arith.index_cast %add3A_283 : i32 to index
      %get3A_285 = tpu.vector_load %arg11[%get3A_284] {strides = array<i32>} : memref<8192xf32, #tpu.memory_space<vmem>>, vector<16xf32>,
      %add3A_286 = arith.addf %add3A_279, %get3A_285 : vector<16xf32>
      %mul3A_287 = arith.mulf %add3A_286, %get3A_168 : vector<16xf32>
      %add3A_288 = arith.addf %mul3A_287, %get3A_170 : vector<16xf32>
      %neg3A = arith.constant 0.000000e+00 : f32
      %neg3A_289 = vector.broadcast %neg3A : f32 to vector<16xf32>
      %neg3A_290 = arith.subf %neg3A_289, %add3A_288 : vector<16xf32>
      %exp3A = math.exp %neg3A_290 : vector<16xf32>
      %add3A_291 = arith.constant 1.000000e+00 : f32
      %add3A_292 = vector.broadcast %add3A_291 : f32 to vector<16xf32>
      %add3A_293 = arith.addf %add3A_292, %exp3A : vector<16xf32>
      %div3A = arith.constant 1.000000e+00 : f32
      %div3A_294 = vector.broadcast %div3A : f32 to vector<16xf32>
      %div3A_295 = arith.divf %div3A_294, %add3A_293 : vector<16xf32>
      %swap3A = arith.index_cast %mul3A_179 : i32 to index
      %swap3A_296 = tpu.vector_load %arg12[%swap3A] {strides = array<i32>} : memref<512xf32, #tpu.memory_space<vmem>>, vector<16xf32>,
      tpu.vector_store %arg12[%swap3A], %div3A_295 {strides = array<i32>} : memref<512xf32, #tpu.memory_space<vmem>>, vector<16xf32>,
    }
    %scan3A_176 = arith.constant 32 : i32
    "tpu.region"() ({
      %run_scoped3A = tpu.sem_alloc : memref<!tpu.dma_semaphore, #tpu.memory_space<semaphore_mem>>
      %dma_start3A_177 = tpu.memref_slice %arg8[%mul3A_2] : memref<16384xf32, #tpu.memory_space<hbm>> -> memref<512xf32, #tpu.memory_space<hbm>>
      %dma_start3A_178 = tpu.memref_slice %arg8[%mul3A_2] : memref<16384xf32, #tpu.memory_space<hbm>> -> memref<512xf32, #tpu.memory_space<hbm>>
      tpu.enqueue_dma source(%arg12 : memref<512xf32, #tpu.memory_space<vmem>>) target(%dma_start3A_178 : memref<512xf32, #tpu.memory_space<hbm>>) target_semaphore(%run_scoped3A : memref<!tpu.dma_semaphore, #tpu.memory_space<semaphore_mem>>)
      %dma_wait3A = tpu.memref_slice %arg8[%mul3A_2] : memref<16384xf32, #tpu.memory_space<hbm>> -> memref<512xf32, #tpu.memory_space<hbm>>
      %dma_wait3A_179 = tpu.memref_slice %arg8[%mul3A_2] : memref<16384xf32, #tpu.memory_space<hbm>> -> memref<512xf32, #tpu.memory_space<hbm>>
      tpu.wait_dma2 semaphore(%run_scoped3A : memref<!tpu.dma_semaphore, #tpu.memory_space<semaphore_mem>>) src(%arg12 : memref<512xf32, #tpu.memory_space<vmem>>) dst(%dma_wait3A_179 : memref<512xf32, #tpu.memory_space<hbm>>)
      tpu.yield
    }) : () -> ()
    return
  }
}

</mosaic_0001>

<sc_bundles>
// kernel: kernel.3.cloned.1.call-start
scs
__scs_entry_jumppad:
0x0: {  	(pc) =	sbr.rel $0x88, $3  }
0x1: {  	(tag) =	ssettag $0x0;
	lr =	simm.s32 $0x1  }
0x2: {  	[smem:$0x3F9B] =	sst lr;
	_ =	strace $0xD0000000  }
0x3: {  	_ = 	snop  }
0x4: {  	_ = 	snop  }
0x5: {  	_ = 	snop  }
0x6: {  	_ = 	snop  }
0x7: {  	_ = 	snop  }
__scs_overlays_trampoline_lowered:
0x8: {  	[smem:$0x3FAA] =	sst s0  }
0x9: {  	[smem:$0x3FAB] =	sst s1  }
0xa: {  	[smem:$0x3FAC] =	sst s2  }
0xb: {  	[smem:$0x3FAD] =	sst s3  }
0xc: {  	[smem:$0x3FAE] =	sst s4  }
0xd: {  	[smem:$0x3FAF] =	sst s5  }
0xe: {  	[smem:$0x3FB0] =	sst s6  }
0xf: {  	[smem:$0x3FB1] =	sst s7  }
0x10: {  	[smem:$0x3FB2] =	sst s8  }
0x11: {  	[smem:$0x3FB3] =	sst s9;
	s0 =	simm.s32 @!p0 $0x0  }
0x12: {  	s1 =	sld [smem:$0x3F99];
	s0 =	simm.s32 @p0 $0x1  }
0x13: {  	[smem:$0x3FB4] =	sst s0;
	s0 =	simm.s32 @!p1 $0x0  }
0x14: {  	s2 =	sld [smem:$0x3F98];
	s0 =	simm.s32 @p1 $0x1  }
0x15: {  	[smem:$0x3FB5] =	sst s0;
	s0 =	simm.s32 @!p2 $0x0  }
0x16: {  	s3 =	sld [smem:$0x3FDB];
	s0 =	simm.s32 @p2 $0x1  }
0x17: {  	s4 =	simm.s32 $0x1BF5;
	[smem:$0x3FB7] =	sst s0  }
0x18: {  	s0 =	sld [smem:$0x3F9A];
	_ =	swait.ge [sflag:s4], $0x0  }
0x19: {  	s7 =	sld [smem:$0x3F9B]  }
0x1a: {  	s8 =	sadd.s32 $0xFFFFE003, lr  }
0x1b: {  	s9 =	sadd.s32 $0xFFFFFEF7, lr;
	s5 =	simm.s32 $0xFFFFFFFF;
	p2 =	slt.u32 s8, $0xFFFFF086  }
0x1c: {  	p1 =	slt.u32 s9, $0xF7A;
	s5 =	simm.s32 @!p2 $0x0  }
0x1d: {  	s5 =	simm.s32 @p1 $0x1;
	p0 =	seq.s32 s7, s2  }
0x1e: {  	s7 =	smul.u32 @!p0 $0xF7A, s2;
	p2 =	seq.s32 @!p0 s5, $0x0  }
0x1f: {  	s9 =	smul.u32 $0xF7A, s1;
	s8 =	simm.s32 @!p0 $0x1BF5;
	p2 =	por !p2, p0  }
0x20: {  	[sflag:s8] =	ssyncset.s32 @!p0 $0xFFFFF086;
	s6 =	sadd.s32 @!p0 s3, s7;
	s7 =	simm.s32 @!p0 $0x108  }
0x21: {  	s3 =	sadd.s32 s3, s9;
	s6 =	sadd.s32 @!p0 $0x88, s6;
	s7 =	simm.s32 @p2 $0x1082  }
0x22: {  	[simem:s7], [sflag:s8] =	dma.local @!p0 [hbm:s6], $0xF7A  }
0x23: {  	s9 =	sor.u32 $0xD0000000, s2;
	s6 =	simm.s32 $0x108;
	_ =	swait.ge @!p0 [sflag:s8], $0x0  }
0x24: {  	s3 =	sadd.s32 $0x88, s3;
	s6 =	simm.s32 @!p1 $0x1082;
	[sflag:s4] =	ssyncset.s32 $0xFFFFF086  }
0x25: {  	[simem:s6], [sflag:s4] =	dma.local [hbm:s3], $0xF7A  }
0x26: {  	[smem:$0x3F9B] =	sst s1;
	(tag) =	ssettag s2;
	_ =	strace s9  }
0x27: {  	s1 =	sld [smem:$0x3FAB]  }
0x28: {  	s2 =	sld [smem:$0x3FAC]  }
0x29: {  	s4 =	sld [smem:$0x3FAE]  }
0x2a: {  	p0 =	seq.s32 s5, $0x0;
	s5 =	sld [smem:$0x3FAF]  }
0x2b: {  	s6 =	sld [smem:$0x3FB0]  }
0x2c: {  	s7 =	sld [smem:$0x3FB1]  }
0x2d: {  	s3 =	simm.s32 $0x108;
	s8 =	sld [smem:$0x3FB2]  }
0x2e: {  	s3 =	simm.s32 @!p0 $0x1082;
	s9 =	sld [smem:$0x3FB3]  }
0x2f: {  	lr =	sadd.s32 s0, s3;
	s0 =	sld [smem:$0x3FAA]  }
0x30: {  	s3 =	sld [smem:$0x3FAD]  }
0x31: {  	[smem:$0x3FB6] =	sst s10  }
0x32: {  	s10 =	sld [smem:$0x3FB4];
	_ =	sdelay $0x3  }
0x33: {  	p0 =	seq.s32 s10, $0x1;
	s10 =	sld [smem:$0x3FB6];
	_ =	sdelay $0x3  }
0x34: {  	[smem:$0x3FB6] =	sst s10  }
0x35: {  	s10 =	sld [smem:$0x3FB5];
	_ =	sdelay $0x3  }
0x36: {  	p1 =	seq.s32 s10, $0x1;
	s10 =	sld [smem:$0x3FB6];
	_ =	sdelay $0x3  }
0x37: {  	[smem:$0x3FB6] =	sst s10  }
0x38: {  	s10 =	sld [smem:$0x3FB7]  }
0x39: {  	_ = 	snop;
	(pc) =	sbr.ind lr, $3  }
0x3a: {  	_ = 	snop  }
0x3b: {  	_ = 	snop  }
0x3c: {  	p2 =	seq.s32 s10, $0x1;
	s10 =	sld [smem:$0x3FB6]  }
0x3d: {  	_ =	shalt  }
0x3e: {  	_ =	shalt  }
0x3f: {  	_ =	shalt  }
0x40: {  	_ =	shalt  }
0x41: {  	_ =	shalt  }
0x42: {  	_ =	shalt  }
0x43: {  	_ =	shalt  }
0x44: {  	_ =	shalt  }
0x45: {  	_ =	shalt  }
0x46: {  	_ =	shalt  }
0x47: {  	_ =	shalt  }
0x48: {  	_ =	shalt  }
0x49: {  	_ =	shalt  }
0x4a: {  	_ =	shalt  }
0x4b: {  	_ =	shalt  }
0x4c: {  	_ =	shalt  }
0x4d: {  	_ =	shalt  }
0x4e: {  	_ =	shalt  }
0x4f: {  	_ =	shalt  }
0x50: {  	_ =	shalt  }
0x51: {  	_ =	shalt  }
0x52: {  	_ =	shalt  }
0x53: {  	_ =	shalt  }
0x54: {  	_ =	shalt  }
0x55: {  	_ =	shalt  }
0x56: {  	_ =	shalt  }
0x57: {  	_ =	shalt  }
0x58: {  	_ =	shalt  }
0x59: {  	_ =	shalt  }
0x5a: {  	_ =	shalt  }
0x5b: {  	_ =	shalt  }
0x5c: {  	_ =	shalt  }
0x5d: {  	_ =	shalt  }
0x5e: {  	_ =	shalt  }
0x5f: {  	_ =	shalt  }
0x60: {  	_ =	shalt  }
0x61: {  	_ =	shalt  }
0x62: {  	_ =	shalt  }
0x63: {  	_ =	shalt  }
0x64: {  	_ =	shalt  }
0x65: {  	_ =	shalt  }
0x66: {  	_ =	shalt  }
0x67: {  	_ =	shalt  }
0x68: {  	_ =	shalt  }
0x69: {  	_ =	shalt  }
0x6a: {  	_ =	shalt  }
0x6b: {  	_ =	shalt  }
0x6c: {  	_ =	shalt  }
0x6d: {  	_ =	shalt  }
0x6e: {  	_ =	shalt  }
0x6f: {  	_ =	shalt  }
0x70: {  	_ =	shalt  }
0x71: {  	_ =	shalt  }
0x72: {  	_ =	shalt  }
0x73: {  	_ =	shalt  }
0x74: {  	_ =	shalt  }
0x75: {  	_ =	shalt  }
0x76: {  	_ =	shalt  }
0x77: {  	_ =	shalt  }
0x78: {  	_ =	shalt  }
0x79: {  	_ =	shalt  }
0x7a: {  	_ =	shalt  }
0x7b: {  	_ =	shalt  }
0x7c: {  	_ =	shalt  }
0x7d: {  	_ =	shalt  }
0x7e: {  	_ =	shalt  }
0x7f: {  	_ =	shalt  }
0x80: {  	_ =	shalt  }
0x81: {  	_ =	shalt  }
0x82: {  	_ =	shalt  }
0x83: {  	_ =	shalt  }
0x84: {  	_ =	shalt  }
0x85: {  	_ =	shalt  }
0x86: {  	_ =	shalt  }
0x87: {  	_ =	shalt  }
.Lfunc_end0:
.L_simem_size_0:
called_computation_lowered:
.L_overlay_start_0:
0x88: {  	s2 =	sld [smem:$0x3FD9]  }
0x89: {  	s3 =	sld [smem:$0x3FFE];
	_ =	sdelay $0x1  }
0x8a: {  	s1 =	srdreg.scid  }
0x8b: {  	s0 =	sand.u32 $0x1, s1  }
0x8c: {  	s17 =	sshll.u32 s0, $0xA;
	s2 =	sadd.s32 s3, s2  }
0x8d: {  	s2 =	sadd.s32 s2, s17  }
0x8e: {  	[smem:$0x3FC2] =	sst s2  }
0x8f: {  	_ = 	snop  }
0x90: {  	s2 =	sld [smem:$0x3FC9]  }
0x91: {  	s18 =	sld [smem:$0x3FC8]  }
0x92: {  	s4 =	sld [smem:$0x3FC7]  }
0x93: {  	s5 =	sld [smem:$0x3FC6]  }
0x94: {  	s6 =	sld [smem:$0x3FD0];
	(tm) =	ssettm $0x1  }
0x95: {  	s7 =	sld [smem:$0x3FFB];
	_ =	sdelay $0x3  }
0x96: {  	_ =	strace s7  }
0x97: {  	s7 =	sld [smem:$0x3FFC];
	_ =	sdelay $0x3  }
0x98: {  	_ =	strace s7  }
0x99: {  	s7 =	sld [smem:$0x3FFD];
	_ =	sdelay $0x3  }
0x9a: {  	_ =	strace s7  }
0x9b: {  	_ =	strace $0x8FFFFFFF  }
0x9c: {  	s19 =	sld [smem:$0x3FDB];
	_ =	sdelay $0x1  }
0x9d: {  	s8 =	simm.s32 $_scs_section_size  }
0x9e: {  	s9 =	simm.s32 $_size__tile_overlayer_lowered;
	s10 =	simm.s32 $_tile_overlayer_lowered  }
0x9f: {  	s22 =	simm.s32 $0x1BFF;
	s21 =	sshll.u32 s10, $0x1;
	s7 =	sadd.s32 s8, s19  }
0xa0: {  	s11 =	simm.s32 $0x0;
	s20 =	sshll.u32 s9, $0x1;
	s9 =	sadd.s32 s21, s7  }
0xa1: {  	[timem:s11], [sflag:s22] =	dma.local [hbm:s9], s20  }
0xa2: {  	_ =	swait.ge [sflag:s22], s20  }
0xa3: {  	s8 =	ssub.s32 $0x0, s20;
	[sflag:s22] =	ssyncset.done $0x0  }
0xa4: {  	[sflag:s22] =	ssyncadd.s32 s8;
	_ =	sdelay $0x1  }
0xa5: {  	s23 =	simm.s32 $0x1B8B  }
0xa6: {  	_ =	swait.ge [sflag:s23], $0x1  }
0xa7: {  	[sflag:s23] =	ssyncset.done $0x0  }
0xa8: {  	s25 =	simm.s32 $0x1B8E;
	s24 =	sld [smem:$0x3FFE];
	[sflag:s23] =	ssyncadd.s32 $0xFFFFFFFF  }
0xa9: {  	s26 =	simm.s32 $execute0_lowered;
	[smem:$0x3FD2] =	sst s25  }
0xaa: {  	s9 =	sshll.u32 s26, $0x1;
	_ =	strace $0x80000046;
	[dreg:$0x1] =	wrdreg $0xFFFFFFFF  }
0xab: {  	s28 =	simm.s32 $_size_execute0_lowered;
	s7 =	sadd.s32 s7, s9;
	[dreg:$0x0] =	wrdreg $0x0  }
0xac: {  	s9 =	sshll.u32 s28, $0x1;
	[dreg:$0x2] =	wrdreg s7  }
0xad: {  	[dreg:$0x3] =	wrdreg s9  }
0xae: {  	[dreg:$0x4] =	wrdreg $0xC0  }
0xaf: {  	_ =	task [dreg:s11], $0x5FFFF  }
0xb0: {  	[dreg:$0x1] =	wrdreg $0xFFFFFFFF  }
0xb1: {  	[dreg:$0x0] =	wrdreg $0x60  }
0xb2: {  	[dreg:$0x2] =	wrdreg s2  }
0xb3: {  	[dreg:$0x3] =	wrdreg s18  }
0xb4: {  	[dreg:$0x4] =	wrdreg s4  }
0xb5: {  	[dreg:$0x5] =	wrdreg s5  }
0xb6: {  	[dreg:$0x6] =	wrdreg s24  }
0xb7: {  	[dreg:$0x7] =	wrdreg s6  }
0xb8: {  	[dreg:$0x8] =	wrdreg $0x9  }
0xb9: {  	_ =	task.clear_ibuf [dreg:s11], $0x9FFFF;
	_ =	strace $0x90000046  }
0xba: {  	s29 =	simm.s32 $0x9;
	_ =	strace $0x80000048  }
0xbb: {  	_ =	swait.ge [sflag:s29], $0x1  }
0xbc: {  	[sflag:s29] =	ssyncadd.s32 $0xFFFFFFFF  }
0xbd: {  	_ =	strace $0x90000048  }
0xbe: {  	_ =	sfence  }
0xbf: {  	s30 =	sld [smem:$0x0];
	_ =	sdelay $0x2  }
0xc0: {  	s31 =	sshll.u32 s1, $0xD;
	s1 =	sshrl.u32 s1, $0x2  }
0xc1: {  	s3 =	sand.u32 $0x4000, s31;
	s1 =	sadd.s32 s1, s30  }
0xc2: {  	s0 =	sor.u32 s3, s0;
	s1 =	sshll.u32 s1, $0x11  }
0xc3: {  	s0 =	sor.u32 s1, s0  }
0xc4: {  	s0 =	sadd.s32 $0x8F2B, s0  }
0xc5: {  	[sflag:s0] =	ssyncadd.remote.s32 $0x1  }
0xc6: {  	_ =	sfence.sel $0xFFFF  }
0xc7: {  	[dreg:$0x0] =	wrdreg $0xFFFFFFFF;
	(pc) =	sbr.abs _section_cstart, $3  }
0xc8: {  	[dreg:$0x1] =	wrdreg $0xFFFFFFFF  }
0xc9: {  	_ =	task.clear_ibuf [dreg:s11], $0x2FFFF;
	_ =	strace $0x9FFFFFFF  }
0xca: {  	(tm) =	ssettm $0x7FFFFFFF  }
0xcb: {  	_ =	shalt  }
tec
execute0_lowered:
.L_overlay_start_1:
0x0: {  	(tag) =	ssettag $0x1  }
0x1: {  	s0 =	rddreg [dreg:$0x0]  }
0x2: {  	s3 =	rddreg [dreg:$0x1]  }
0x3: {  	s1 =	rddreg [dreg:$0x2]  }
0x4: {  	s2 =	rddreg [dreg:$0x3]  }
0x5: {  	s4 =	rddreg [dreg:$0x4]  }
0x6: {  	s5 =	rddreg [dreg:$0x5];
	s24 =	simm.s32 $0x0  }
0x7: {  	s6 =	srdreg.scid;
	s9 =	stileid.u32;
	s14 =	simm.s32 $0x400  }
0x8: {  	s15 =	simm.s32 $0x7A1400;
	s30 =	simm.s32 $0xD700;
	s31 =	simm.s32 $0x5F00  }
0x9: {  	s12 =	simm.s32 $0xE700;
	s13 =	simm.s32 $0x6F00;
	s10 =	simm.s32 $0x8700  }
0xa: {  	s11 =	simm.s32 $0x8F00;
	s16 =	simm.s32 $0x10F00;
	s17 =	simm.s32 $0x9700  }
0xb: {  	s18 =	simm.s32 $0x11700;
	s19 =	simm.s32 $0x9F00;
	s20 =	simm.s32 $0x11F00  }
0xc: {  	s21 =	simm.s32 $0x1;
	s22 =	simm.s32 $0x2;
	[smem:$0x7FF] =	sst s24  }
0xd: {  	s6 =	sand.u32 $0x1, s6;
	s7 =	sadd.s32 $0x600, s4;
	s9 =	sshll.u32 s9, $0x7  }
0xe: {  	s4 =	sadd.s32 $0x800, s4;
	_ =	strace $0x80000047;
	[dreg:$0x7] =	wrdreg s7  }
0xf: {  	s23 =	ssub.s32 $0x2, s6;
	s6 =	sshll.u32 s6, $0x6;
	[dreg:$0x8] =	wrdreg s4  }
0x10: {  	s4 =	simm.s32 $0x6700;
	s7 =	simm.s32 $0xF700;
	s8 =	sshrl.u32 s23, $0x1  }
0x11: {  	s6 =	sor.u32 s6, s9;
	s9 =	simm.s32 $0xFF00;
	s25 =	ssub.s32 s23, s8  }
0x12: {  	s0 =	sadd.s32 s0, s6;
	s26 =	sadd.s32 s3, s6;
	s28 =	sadd.s32 s5, s6  }
0x13: {  	s5 =	simm.s32 $0xEF00;
	s6 =	simm.s32 $0x7700;
	[dreg:$0x9] =	wrdreg s0  }
0x14: {  	s8 =	simm.s32 $0x7F00;
	s3 =	simm.s32 $0x10700;
	[dreg:$0xa] =	wrdreg s26  }
0x15: {  	v1 =	vlaneseq.u32;
	[dreg:$0xb] =	wrdreg s28;
	s29 =	smax.u32 s25, $0x1;
	s26 =	simm.s32 $0x3  }
0x16: {  	v0 =	vmul.u32 $0x80, v1;
	v1 =	vmul.u32 $0x200, v1;
	s0 =	simm.s32 $0xDF00;
	s25 =	simm.s32 $0x0;
	[dreg:$0xc] =	wrdreg s29  }
.LBB2_1:
0x17: {  	[dreg:$0xd] =	wrdreg s25  }
0x18: {  	s23 =	rddreg [dreg:$0x9]  }
0x19: {  	[tilespmem:s24], [sflag:$0x3] =	stream.linear.gather [hbm4b:s23+s24], $0x200, $0x38;
	[tilespmem:$0x12700] =	vst v63  }
0x1a: {  	_ =	swait.ge [sflag:s26], $0x200  }
0x1b: {  	[sflag:s26] =	ssyncset.done $0x0  }
0x1c: {  	s23 =	simm.s32 $0x200;
	s28 =	rddreg [dreg:$0xa];
	[sflag:s26] =	ssyncadd.s32 $0xFFFFFE00  }
0x1d: {  	[tilespmem:s23], [sflag:$0x3] =	stream.linear.gather [hbm4b:s28+s24], $0x200, $0x38;
	[tilespmem:$0x12700] =	vst v63  }
0x1e: {  	_ =	swait.ge [sflag:s26], $0x200  }
0x1f: {  	[sflag:s26] =	ssyncset.done $0x0  }
0x20: {  	s28 =	simm.s32 $0x2600;
	s29 =	rddreg [dreg:$0x7];
	[sflag:s26] =	ssyncadd.s32 $0xFFFFFE00  }
0x21: {  	[tilespmem:s28], [sflag:$0x3] =	stream.linear.gather [hbm4b:s29+s24], $0x80, $0x38;
	[tilespmem:$0x12700] =	vst v63  }
0x22: {  	_ =	swait.ge [sflag:s26], $0x80  }
0x23: {  	[sflag:s26] =	ssyncset.done $0x0  }
0x24: {  	s29 =	simm.s32 $0x2680;
	s25 =	rddreg [dreg:$0x8];
	[sflag:s26] =	ssyncadd.s32 $0xFFFFFF80  }
0x25: {  	[tilespmem:s29], [sflag:$0x3] =	stream.linear.gather [hbm4b:s25+s24], $0x80, $0x38;
	[tilespmem:$0x12700] =	vst v63  }
0x26: {  	_ =	swait.ge [sflag:s26], $0x80  }
0x27: {  	[sflag:s26] =	ssyncset.done $0x0  }
0x28: {  	[sflag:s26] =	ssyncadd.s32 $0xFFFFFF80  }
0x29: {  	v2 =	vld [tilespmem:$0x0]  }
0x2a: {  	v3 =	vld [tilespmem:$0x200];
	_ =	sdelay $0x3  }
0x2b: {  	(v2sf) =	vpush v2, $0x0  }
0x2c: {  	(v2sf) =	vpush v3, $0x0;
	_ =	sdelay $0x5  }
0x2d: {  	(v2sf) =	vpush v2, $0x1;
	_ =	sdelay $0x1  }
0x2e: {  	(v2sf) =	vpush v3, $0x1;
	_ =	sdelay $0x5  }
0x2f: {  	s25 =	spop (v2sf);
	(v2sf) =	vpush v2, $0x2  }
0x30: {  	s28 =	spop (v2sf);
	(v2sf) =	vpush v3, $0x2;
	_ =	sdelay $0x4  }
0x31: {  	s24 =	sand.u32 $0xFFFFF80, s25  }
0x32: {  	s26 =	simm.s32 $0x2700;
	s24 =	sadd.s32 s1, s24;
	s25 =	spop (v2sf);
	(v2sf) =	vpush v2, $0x3  }
0x33: {  	[tilespmem:s26], [sflag:$0x1] =	stream.strided.gather [hbm4b:s24+s14], $0x800, s15, s14, $0x38;
	[tilespmem:$0x12700] =	vst v63  }
0x34: {  	s24 =	sand.u32 $0xFFFFF80, s28;
	s28 =	spop (v2sf);
	(v2sf) =	vpush v3, $0x3  }
0x35: {  	s29 =	simm.s32 $0xA700;
	s24 =	sadd.s32 s2, s24  }
0x36: {  	[tilespmem:s29], [sflag:$0x1] =	stream.strided.gather [hbm4b:s24+s14], $0x800, s15, s14, $0x38;
	[tilespmem:$0x12700] =	vst v63  }
0x37: {  	s24 =	sand.u32 $0xFFFFF80, s25  }
0x38: {  	s26 =	simm.s32 $0x2F00;
	s24 =	sadd.s32 s1, s24  }
0x39: {  	[tilespmem:s26], [sflag:$0x1] =	stream.strided.gather [hbm4b:s24+s14], $0x800, s15, s14, $0x38;
	[tilespmem:$0x12700] =	vst v63  }
0x3a: {  	s24 =	sand.u32 $0xFFFFF80, s28;
	s25 =	spop (v2sf);
	(v2sf) =	vpush v2, $0x4  }
0x3b: {  	s29 =	simm.s32 $0xAF00;
	s24 =	sadd.s32 s2, s24;
	s28 =	spop (v2sf);
	(v2sf) =	vpush v3, $0x4  }
0x3c: {  	[tilespmem:s29], [sflag:$0x1] =	stream.strided.gather [hbm4b:s24+s14], $0x800, s15, s14, $0x38;
	[tilespmem:$0x12700] =	vst v63  }
0x3d: {  	s24 =	sand.u32 $0xFFFFF80, s25  }
0x3e: {  	s26 =	simm.s32 $0x3700;
	s24 =	sadd.s32 s1, s24  }
0x3f: {  	[tilespmem:s26], [sflag:$0x1] =	stream.strided.gather [hbm4b:s24+s14], $0x800, s15, s14, $0x38;
	[tilespmem:$0x12700] =	vst v63  }
0x40: {  	(v2sf) =	vpush v2, $0x5;
	s24 =	sand.u32 $0xFFFFF80, s28  }
0x41: {  	s29 =	simm.s32 $0xB700;
	s25 =	spop (v2sf);
	s24 =	sadd.s32 s2, s24  }
0x42: {  	(v2sf) =	vpush v3, $0x5;
	[tilespmem:s29], [sflag:$0x1] =	stream.strided.gather [hbm4b:s24+s14], $0x800, s15, s14, $0x38;
	[tilespmem:$0x12700] =	vst v63  }
0x43: {  	s28 =	spop (v2sf);
	(v2sf) =	vpush v2, $0x6;
	s24 =	sand.u32 $0xFFFFF80, s25  }
0x44: {  	s26 =	simm.s32 $0x3F00;
	s24 =	sadd.s32 s1, s24  }
0x45: {  	[tilespmem:s26], [sflag:$0x1] =	stream.strided.gather [hbm4b:s24+s14], $0x800, s15, s14, $0x38;
	[tilespmem:$0x12700] =	vst v63  }
0x46: {  	s24 =	sand.u32 $0xFFFFF80, s28  }
0x47: {  	s29 =	simm.s32 $0xBF00;
	s24 =	sadd.s32 s2, s24  }
0x48: {  	[tilespmem:s29], [sflag:$0x1] =	stream.strided.gather [hbm4b:s24+s14], $0x800, s15, s14, $0x38;
	[tilespmem:$0x12700] =	vst v63  }
0x49: {  	s25 =	spop (v2sf);
	(v2sf) =	vpush v3, $0x6  }
0x4a: {  	s28 =	spop (v2sf);
	(v2sf) =	vpush v2, $0x7  }
0x4b: {  	s24 =	sand.u32 $0xFFFFF80, s25  }
0x4c: {  	s26 =	simm.s32 $0x4700;
	s24 =	sadd.s32 s1, s24  }
0x4d: {  	[tilespmem:s26], [sflag:$0x1] =	stream.strided.gather [hbm4b:s24+s14], $0x800, s15, s14, $0x38;
	[tilespmem:$0x12700] =	vst v63  }
0x4e: {  	s24 =	sand.u32 $0xFFFFF80, s28  }
0x4f: {  	s29 =	simm.s32 $0xC700;
	s26 =	spop (v2sf);
	(v2sf) =	vpush v3, $0x7;
	s24 =	sadd.s32 s2, s24  }
0x50: {  	[tilespmem:s29], [sflag:$0x1] =	stream.strided.gather [hbm4b:s24+s14], $0x800, s15, s14, $0x38;
	[tilespmem:$0x12700] =	vst v63  }
0x51: {  	s28 =	spop (v2sf);
	s24 =	sand.u32 $0xFFFFF80, s26;
	s29 =	simm.s32 $0x4F00  }
0x52: {  	s26 =	sand.u32 $0xFFFFF80, s28;
	s28 =	spop (v2sf);
	s24 =	sadd.s32 s1, s24  }
0x53: {  	[tilespmem:s29], [sflag:$0x1] =	stream.strided.gather [hbm4b:s24+s14], $0x800, s15, s14, $0x38;
	[tilespmem:$0x12700] =	vst v63  }
0x54: {  	s24 =	sadd.s32 s2, s26;
	s29 =	simm.s32 $0xCF00;
	s26 =	sand.u32 $0xFFFFF80, s28  }
0x55: {  	[tilespmem:s29], [sflag:$0x1] =	stream.strided.gather [hbm4b:s24+s14], $0x800, s15, s14, $0x38;
	[tilespmem:$0x12700] =	vst v63  }
0x56: {  	s24 =	sadd.s32 s1, s26;
	s29 =	simm.s32 $0x5700  }
0x57: {  	[tilespmem:s29], [sflag:$0x1] =	stream.strided.gather [hbm4b:s24+s14], $0x800, s15, s14, $0x38;
	[tilespmem:$0x12700] =	vst v63  }
0x58: {  	s28 =	spop (v2sf)  }
0x59: {  	s25 =	sand.u32 $0xFFFFF80, s28;
	s26 =	spop (v2sf)  }
0x5a: {  	s24 =	sadd.s32 s2, s25;
	s28 =	sand.u32 $0xFFFFF80, s26  }
0x5b: {  	[tilespmem:s30], [sflag:$0x1] =	stream.strided.gather [hbm4b:s24+s14], $0x800, s15, s14, $0x38;
	[tilespmem:$0x12700] =	vst v63  }
0x5c: {  	s24 =	sadd.s32 s1, s28  }
0x5d: {  	[tilespmem:s31], [sflag:$0x1] =	stream.strided.gather [hbm4b:s24+s14], $0x800, s15, s14, $0x38;
	[tilespmem:$0x12700] =	vst v63  }
.Ltmp0:
0x5e: {  	s29 =	spop (v2sf);
	(pc) =	sbr.rel .LBB2_2-.Ltmp0, $4  }
0x5f: {  	s24 =	sand.u32 $0xFFFFF80, s29  }
0x60: {  	s24 =	sadd.s32 s2, s24  }
0x61: {  	[tilespmem:s0], [sflag:$0x1] =	stream.strided.gather [hbm4b:s24+s14], $0x800, s15, s14, $0x38;
	[tilespmem:$0x12700] =	vst v63  }
0x62: {  	s25 =	simm.s32 $0x0;
	s24 =	simm.s32 $0xF  }
.LBB2_4:
0x63: {  	_ =	swait.ge [sflag:s22], $0x800  }
0x64: {  	[sflag:s22] =	ssyncset.done $0x0  }
0x65: {  	[sflag:s22] =	ssyncadd.s32 $0xFFFFF800  }
0x66: {  	_ =	swait.ge [sflag:s22], $0x800  }
0x67: {  	[sflag:s22] =	ssyncset.done $0x0  }
0x68: {  	[sflag:s22] =	ssyncadd.s32 $0xFFFFF800  }
0x69: {  	_ =	swait.ge [sflag:s22], $0x800  }
0x6a: {  	[sflag:s22] =	ssyncset.done $0x0  }
0x6b: {  	[sflag:s22] =	ssyncadd.s32 $0xFFFFF800  }
0x6c: {  	_ =	swait.ge [sflag:s22], $0x800  }
0x6d: {  	[sflag:s22] =	ssyncset.done $0x0  }
0x6e: {  	[sflag:s22] =	ssyncadd.s32 $0xFFFFF800  }
0x6f: {  	_ =	swait.ge [sflag:s22], $0x800  }
0x70: {  	[sflag:s22] =	ssyncset.done $0x0  }
0x71: {  	[sflag:s22] =	ssyncadd.s32 $0xFFFFF800  }
0x72: {  	_ =	swait.ge [sflag:s22], $0x800  }
0x73: {  	[sflag:s22] =	ssyncset.done $0x0  }
0x74: {  	[sflag:s22] =	ssyncadd.s32 $0xFFFFF800  }
0x75: {  	_ =	swait.ge [sflag:s22], $0x800  }
0x76: {  	[sflag:s22] =	ssyncset.done $0x0  }
0x77: {  	[sflag:s22] =	ssyncadd.s32 $0xFFFFF800  }
0x78: {  	_ =	swait.ge [sflag:s22], $0x800  }
0x79: {  	[sflag:s22] =	ssyncset.done $0x0  }
0x7a: {  	[sflag:s22] =	ssyncadd.s32 $0xFFFFF800  }
0x7b: {  	_ =	swait.ge [sflag:s22], $0x800  }
0x7c: {  	[sflag:s22] =	ssyncset.done $0x0  }
0x7d: {  	[sflag:s22] =	ssyncadd.s32 $0xFFFFF800  }
0x7e: {  	_ =	swait.ge [sflag:s22], $0x800  }
0x7f: {  	[sflag:s22] =	ssyncset.done $0x0  }
0x80: {  	[sflag:s22] =	ssyncadd.s32 $0xFFFFF800  }
0x81: {  	_ =	swait.ge [sflag:s22], $0x800  }
0x82: {  	[sflag:s22] =	ssyncset.done $0x0  }
0x83: {  	[sflag:s22] =	ssyncadd.s32 $0xFFFFF800  }
0x84: {  	_ =	swait.ge [sflag:s22], $0x800  }
0x85: {  	[sflag:s22] =	ssyncset.done $0x0  }
0x86: {  	[sflag:s22] =	ssyncadd.s32 $0xFFFFF800  }
0x87: {  	_ =	swait.ge [sflag:s22], $0x800  }
0x88: {  	[sflag:s22] =	ssyncset.done $0x0  }
0x89: {  	[sflag:s22] =	ssyncadd.s32 $0xFFFFF800  }
0x8a: {  	_ =	swait.ge [sflag:s22], $0x800  }
0x8b: {  	[sflag:s22] =	ssyncset.done $0x0  }
0x8c: {  	[sflag:s22] =	ssyncadd.s32 $0xFFFFF800  }
0x8d: {  	_ =	swait.ge [sflag:s22], $0x800  }
0x8e: {  	[sflag:s22] =	ssyncset.done $0x0  }
0x8f: {  	[sflag:s22] =	ssyncadd.s32 $0xFFFFF800  }
0x90: {  	_ =	swait.ge [sflag:s22], $0x800  }
0x91: {  	[sflag:s22] =	ssyncset.done $0x0  }
0x92: {  	[sflag:s22] =	ssyncadd.s32 $0xFFFFF800  }
0x93: {  	v2 =	vld [tilespmem:s25+$0x0]  }
0x94: {  	v3 =	vld [tilespmem:s23+$0x0];
	_ =	sdelay $0x3  }
0x95: {  	(v2sf) =	vpush v2, $0x8  }
0x96: {  	(v2sf) =	vpush v3, $0x8;
	_ =	sdelay $0x7  }
0x97: {  	(v2sf) =	vpush v2, $0x9  }
0x98: {  	(v2sf) =	vpush v3, $0x9;
	_ =	sdelay $0x4  }
0x99: {  	s26 =	spop (v2sf)  }
0x9a: {  	s28 =	spop (v2sf);
	s26 =	sand.u32 $0x7F, s26  }
0x9b: {  	s28 =	sand.u32 $0x7F, s28;
	v4 =	vor.u32 s26, v0  }
0x9c: {  	(v2sf) =	vpush v2, $0xA;
	v5 =	vor.u32 s28, v0  }
0x9d: {  	(v2sf) =	vpush v3, $0xA;
	_ =	sdelay $0x2  }
0x9e: {  	v4 =	vld.idx.msk [tilespmem:v4+s4+$0x0], $0xffff  }
0x9f: {  	v5 =	vld.idx.msk [tilespmem:v5+s12+$0x0], $0xffff  }
0xa0: {  	s29 =	sadd.s32 $0xFFFFFFF9, s24;
	s28 =	spop (v2sf)  }
0xa1: {  	v6 =	vor.u32 s29, v1;
	s29 =	spop (v2sf);
	s28 =	sand.u32 $0x7F, s28  }
0xa2: {  	s26 =	sand.u32 $0x7F, s29;
	v7 =	vor.u32 s28, v0  }
0xa3: {  	(v2sf) =	vpush v2, $0xB;
	v8 =	vor.u32 s26, v0  }
0xa4: {  	(v2sf) =	vpush v3, $0xB;
	v4 =	vmul.f32 v5, v4;
	_ =	sdelay $0x1  }
0xa5: {  	[tilespmem:v6+s14+$0x0] =	vst.idx.msk $0xffff, v4  }
0xa6: {  	v4 =	vld.idx.msk [tilespmem:v7+s13+$0x0], $0xffff  }
0xa7: {  	v42 =	vld.idx.msk [tilespmem:v8+s5+$0x0], $0xffff  }
0xa8: {  	s29 =	sadd.s32 $0xFFFFFFFA, s24;
	s28 =	spop (v2sf)  }
0xa9: {  	v43 =	vor.u32 s29, v1;
	s29 =	spop (v2sf);
	s28 =	sand.u32 $0x7F, s28  }
0xaa: {  	s26 =	sand.u32 $0x7F, s29;
	v44 =	vor.u32 s28, v0  }
0xab: {  	(v2sf) =	vpush v2, $0xC;
	v45 =	vor.u32 s26, v0  }
0xac: {  	(v2sf) =	vpush v3, $0xC;
	v4 =	vmul.f32 v42, v4;
	_ =	sdelay $0x1  }
0xad: {  	[tilespmem:v43+s14+$0x0] =	vst.idx.msk $0xffff, v4  }
0xae: {  	v4 =	vld.idx.msk [tilespmem:v44+s6+$0x0], $0xffff  }
0xaf: {  	v46 =	vld.idx.msk [tilespmem:v45+s7+$0x0], $0xffff  }
0xb0: {  	s29 =	sadd.s32 $0xFFFFFFFB, s24;
	s28 =	spop (v2sf)  }
0xb1: {  	v47 =	vor.u32 s29, v1;
	s29 =	spop (v2sf);
	s28 =	sand.u32 $0x7F, s28  }
0xb2: {  	s26 =	sand.u32 $0x7F, s29;
	v48 =	vor.u32 s28, v0  }
0xb3: {  	(v2sf) =	vpush v2, $0xD;
	v49 =	vor.u32 s26, v0  }
0xb4: {  	(v2sf) =	vpush v3, $0xD;
	v4 =	vmul.f32 v46, v4;
	_ =	sdelay $0x1  }
0xb5: {  	[tilespmem:v47+s14+$0x0] =	vst.idx.msk $0xffff, v4  }
0xb6: {  	v4 =	vld.idx.msk [tilespmem:v48+s8+$0x0], $0xffff  }
0xb7: {  	v50 =	vld.idx.msk [tilespmem:v49+s9+$0x0], $0xffff  }
0xb8: {  	s29 =	sadd.s32 $0xFFFFFFFC, s24;
	s28 =	spop (v2sf)  }
0xb9: {  	v51 =	vor.u32 s29, v1;
	s29 =	spop (v2sf);
	s28 =	sand.u32 $0x7F, s28  }
0xba: {  	s26 =	sand.u32 $0x7F, s29;
	v52 =	vor.u32 s28, v0  }
0xbb: {  	(v2sf) =	vpush v2, $0xE;
	v53 =	vor.u32 s26, v0  }
0xbc: {  	(v2sf) =	vpush v3, $0xE;
	v4 =	vmul.f32 v50, v4;
	_ =	sdelay $0x1  }
0xbd: {  	[tilespmem:v51+s14+$0x0] =	vst.idx.msk $0xffff, v4  }
0xbe: {  	v4 =	vld.idx.msk [tilespmem:v52+s10+$0x0], $0xffff  }
0xbf: {  	v54 =	vld.idx.msk [tilespmem:v53+s3+$0x0], $0xffff  }
0xc0: {  	s29 =	sadd.s32 $0xFFFFFFFD, s24;
	s28 =	spop (v2sf)  }
0xc1: {  	v55 =	vor.u32 s29, v1;
	s29 =	spop (v2sf);
	s28 =	sand.u32 $0x7F, s28  }
0xc2: {  	s26 =	sand.u32 $0x7F, s29;
	v56 =	vor.u32 s28, v0  }
0xc3: {  	(v2sf) =	vpush v2, $0xF;
	v2 =	vor.u32 s26, v0  }
0xc4: {  	(v2sf) =	vpush v3, $0xF;
	v4 =	vmul.f32 v54, v4;
	_ =	sdelay $0x1  }
0xc5: {  	[tilespmem:v55+s14+$0x0] =	vst.idx.msk $0xffff, v4  }
0xc6: {  	v3 =	vld.idx.msk [tilespmem:v56+s11+$0x0], $0xffff  }
0xc7: {  	v2 =	vld.idx.msk [tilespmem:v2+s16+$0x0], $0xffff  }
0xc8: {  	s28 =	sadd.s32 $0xFFFFFFFE, s24;
	s26 =	spop (v2sf)  }
0xc9: {  	v57 =	vor.u32 s28, v1;
	s29 =	spop (v2sf);
	s26 =	sand.u32 $0x7F, s26  }
0xca: {  	s29 =	sand.u32 $0x7F, s29;
	v58 =	vor.u32 s26, v0  }
0xcb: {  	v59 =	vor.u32 s29, v0  }
0xcc: {  	v2 =	vmul.f32 v2, v3;
	_ =	sdelay $0x1  }
0xcd: {  	[tilespmem:v57+s14+$0x0] =	vst.idx.msk $0xffff, v2  }
0xce: {  	v2 =	vld.idx.msk [tilespmem:v58+s17+$0x0], $0xffff  }
0xcf: {  	v3 =	vld.idx.msk [tilespmem:v59+s18+$0x0], $0xffff  }
0xd0: {  	s26 =	spop (v2sf);
	s29 =	sadd.s32 $0xFFFFFFFF, s24  }
0xd1: {  	v60 =	vor.u32 s29, v1;
	s29 =	spop (v2sf);
	s26 =	sand.u32 $0x7F, s26  }
0xd2: {  	s28 =	sand.u32 $0x7F, s29;
	v61 =	vor.u32 s26, v0  }
0xd3: {  	v62 =	vor.u32 s28, v0  }
0xd4: {  	v2 =	vmul.f32 v3, v2;
	_ =	sdelay $0x1  }
0xd5: {  	[tilespmem:v60+s14+$0x0] =	vst.idx.msk $0xffff, v2  }
0xd6: {  	v2 =	vld.idx.msk [tilespmem:v61+s19+$0x0], $0xffff  }
0xd7: {  	v3 =	vld.idx.msk [tilespmem:v62+s20+$0x0], $0xffff  }
0xd8: {  	v63 =	vor.u32 s24, v1;
	s24 =	sadd.s32 $0x10, s24  }
0xd9: {  	p0 =	sne.s32 s24, $0x20F  }
.Ltmp1:
0xda: {  	_ = 	snop;
	(pc) =	sbr.rel @!p0 .LBB2_5-.Ltmp1, $3  }
0xdb: {  	_ = 	snop  }
0xdc: {  	v2 =	vmul.f32 v3, v2;
	_ =	sdelay $0x1  }
0xdd: {  	s25 =	sadd.s32 $0x10, s25;
	s23 =	sadd.s32 $0x10, s23;
	[tilespmem:v63+s14+$0x0] =	vst.idx.msk $0xffff, v2  }
.LBB2_2:
0xde: {  	v2 =	vld [tilespmem:s25+$0x0];
	_ =	sdelay $0x1  }
0xdf: {  	v3 =	vld [tilespmem:s23+$0x0];
	_ =	sdelay $0x2  }
0xe0: {  	(v2sf) =	vpush v2, $0x8;
	_ =	sdelay $0x1  }
0xe1: {  	(v2sf) =	vpush v3, $0x8;
	_ =	sdelay $0x1  }
0xe2: {  	(v2sf) =	vpush v2, $0x9;
	_ =	sdelay $0x2  }
0xe3: {  	(v2sf) =	vpush v3, $0x9;
	_ =	sdelay $0x7  }
0xe4: {  	s26 =	spop (v2sf);
	(v2sf) =	vpush v2, $0xA;
	_ =	sdelay $0x1  }
0xe5: {  	s28 =	spop (v2sf);
	(v2sf) =	vpush v3, $0xA;
	_ =	sdelay $0x1  }
0xe6: {  	s26 =	sand.u32 $0xFFFFF80, s26;
	s29 =	spop (v2sf);
	(v2sf) =	vpush v2, $0xB  }
0xe7: {  	s26 =	sadd.s32 s1, s26  }
0xe8: {  	[tilespmem:s4], [sflag:$0x2] =	stream.strided.gather [hbm4b:s26+s14], $0x800, s15, s14, $0x38;
	[tilespmem:$0x12700] =	vst v63  }
0xe9: {  	s26 =	sand.u32 $0xFFFFF80, s28;
	s28 =	spop (v2sf);
	(v2sf) =	vpush v3, $0xB;
	_ =	sdelay $0x2  }
0xea: {  	s26 =	sadd.s32 s2, s26  }
0xeb: {  	[tilespmem:s12], [sflag:$0x2] =	stream.strided.gather [hbm4b:s26+s14], $0x800, s15, s14, $0x38;
	[tilespmem:$0x12700] =	vst v63  }
0xec: {  	s26 =	sand.u32 $0xFFFFF80, s29  }
0xed: {  	s26 =	sadd.s32 s1, s26  }
0xee: {  	[tilespmem:s13], [sflag:$0x2] =	stream.strided.gather [hbm4b:s26+s14], $0x800, s15, s14, $0x38;
	[tilespmem:$0x12700] =	vst v63  }
0xef: {  	s29 =	spop (v2sf);
	(v2sf) =	vpush v2, $0xC  }
0xf0: {  	s26 =	sand.u32 $0xFFFFF80, s28  }
0xf1: {  	s26 =	sadd.s32 s2, s26;
	s28 =	spop (v2sf);
	(v2sf) =	vpush v3, $0xC  }
0xf2: {  	[tilespmem:s5], [sflag:$0x2] =	stream.strided.gather [hbm4b:s26+s14], $0x800, s15, s14, $0x38;
	[tilespmem:$0x12700] =	vst v63  }
0xf3: {  	s26 =	sand.u32 $0xFFFFF80, s29;
	s29 =	spop (v2sf);
	(v2sf) =	vpush v2, $0xD  }
0xf4: {  	s26 =	sadd.s32 s1, s26  }
0xf5: {  	[tilespmem:s6], [sflag:$0x2] =	stream.strided.gather [hbm4b:s26+s14], $0x800, s15, s14, $0x38;
	[tilespmem:$0x12700] =	vst v63  }
0xf6: {  	s26 =	sand.u32 $0xFFFFF80, s28;
	s28 =	spop (v2sf);
	(v2sf) =	vpush v3, $0xD;
	_ =	sdelay $0x1  }
0xf7: {  	s26 =	sadd.s32 s2, s26  }
0xf8: {  	[tilespmem:s7], [sflag:$0x2] =	stream.strided.gather [hbm4b:s26+s14], $0x800, s15, s14, $0x38;
	[tilespmem:$0x12700] =	vst v63  }
0xf9: {  	s26 =	sand.u32 $0xFFFFF80, s29  }
0xfa: {  	s26 =	sadd.s32 s1, s26  }
0xfb: {  	[tilespmem:s8], [sflag:$0x2] =	stream.strided.gather [hbm4b:s26+s14], $0x800, s15, s14, $0x38;
	[tilespmem:$0x12700] =	vst v63  }
0xfc: {  	s26 =	sand.u32 $0xFFFFF80, s28  }
0xfd: {  	s26 =	sadd.s32 s2, s26;
	s29 =	spop (v2sf);
	(v2sf) =	vpush v2, $0xE  }
0xfe: {  	[tilespmem:s9], [sflag:$0x2] =	stream.strided.gather [hbm4b:s26+s14], $0x800, s15, s14, $0x38;
	[tilespmem:$0x12700] =	vst v63  }
0xff: {  	s28 =	spop (v2sf);
	(v2sf) =	vpush v3, $0xE  }
0x100: {  	s26 =	sand.u32 $0xFFFFF80, s29  }
0x101: {  	s26 =	sadd.s32 s1, s26;
	s29 =	spop (v2sf)  }
0x102: {  	(v2sf) =	vpush v2, $0xF;
	[tilespmem:s10], [sflag:$0x2] =	stream.strided.gather [hbm4b:s26+s14], $0x800, s15, s14, $0x38;
	[tilespmem:$0x12700] =	vst v63  }
0x103: {  	s26 =	sand.u32 $0xFFFFF80, s28  }
0x104: {  	s28 =	spop (v2sf);
	s26 =	sadd.s32 s2, s26  }
0x105: {  	(v2sf) =	vpush v3, $0xF;
	[tilespmem:s3], [sflag:$0x2] =	stream.strided.gather [hbm4b:s26+s14], $0x800, s15, s14, $0x38;
	[tilespmem:$0x12700] =	vst v63  }
0x106: {  	s26 =	sand.u32 $0xFFFFF80, s29  }
0x107: {  	s26 =	sadd.s32 s1, s26  }
0x108: {  	[tilespmem:s11], [sflag:$0x2] =	stream.strided.gather [hbm4b:s26+s14], $0x800, s15, s14, $0x38;
	[tilespmem:$0x12700] =	vst v63  }
0x109: {  	s26 =	sand.u32 $0xFFFFF80, s28  }
0x10a: {  	s26 =	sadd.s32 s2, s26  }
0x10b: {  	[tilespmem:s16], [sflag:$0x2] =	stream.strided.gather [hbm4b:s26+s14], $0x800, s15, s14, $0x38;
	[tilespmem:$0x12700] =	vst v63  }
0x10c: {  	s29 =	spop (v2sf)  }
0x10d: {  	s26 =	sand.u32 $0xFFFFF80, s29  }
0x10e: {  	s28 =	spop (v2sf);
	s26 =	sadd.s32 s1, s26  }
0x10f: {  	[tilespmem:s17], [sflag:$0x2] =	stream.strided.gather [hbm4b:s26+s14], $0x800, s15, s14, $0x38;
	[tilespmem:$0x12700] =	vst v63  }
0x110: {  	s26 =	sand.u32 $0xFFFFF80, s28  }
0x111: {  	s29 =	spop (v2sf);
	s26 =	sadd.s32 s2, s26  }
0x112: {  	[tilespmem:s18], [sflag:$0x2] =	stream.strided.gather [hbm4b:s26+s14], $0x800, s15, s14, $0x38;
	[tilespmem:$0x12700] =	vst v63  }
0x113: {  	s26 =	sand.u32 $0xFFFFF80, s29  }
0x114: {  	s28 =	spop (v2sf);
	s26 =	sadd.s32 s1, s26  }
0x115: {  	[tilespmem:s19], [sflag:$0x2] =	stream.strided.gather [hbm4b:s26+s14], $0x800, s15, s14, $0x38;
	[tilespmem:$0x12700] =	vst v63  }
0x116: {  	s26 =	sand.u32 $0xFFFFF80, s28  }
0x117: {  	s26 =	sadd.s32 s2, s26  }
0x118: {  	[tilespmem:s20], [sflag:$0x2] =	stream.strided.gather [hbm4b:s26+s14], $0x800, s15, s14, $0x38;
	[tilespmem:$0x12700] =	vst v63  }
0x119: {  	_ =	swait.ge [sflag:s21], $0x800  }
0x11a: {  	[sflag:s21] =	ssyncset.done $0x0  }
0x11b: {  	[sflag:s21] =	ssyncadd.s32 $0xFFFFF800  }
0x11c: {  	_ =	swait.ge [sflag:s21], $0x800  }
0x11d: {  	[sflag:s21] =	ssyncset.done $0x0  }
0x11e: {  	[sflag:s21] =	ssyncadd.s32 $0xFFFFF800  }
0x11f: {  	_ =	swait.ge [sflag:s21], $0x800  }
0x120: {  	[sflag:s21] =	ssyncset.done $0x0  }
0x121: {  	[sflag:s21] =	ssyncadd.s32 $0xFFFFF800  }
0x122: {  	_ =	swait.ge [sflag:s21], $0x800  }
0x123: {  	[sflag:s21] =	ssyncset.done $0x0  }
0x124: {  	[sflag:s21] =	ssyncadd.s32 $0xFFFFF800  }
0x125: {  	_ =	swait.ge [sflag:s21], $0x800  }
0x126: {  	[sflag:s21] =	ssyncset.done $0x0  }
0x127: {  	[sflag:s21] =	ssyncadd.s32 $0xFFFFF800  }
0x128: {  	_ =	swait.ge [sflag:s21], $0x800  }
0x129: {  	[sflag:s21] =	ssyncset.done $0x0  }
0x12a: {  	[sflag:s21] =	ssyncadd.s32 $0xFFFFF800  }
0x12b: {  	_ =	swait.ge [sflag:s21], $0x800  }
0x12c: {  	[sflag:s21] =	ssyncset.done $0x0  }
0x12d: {  	[sflag:s21] =	ssyncadd.s32 $0xFFFFF800  }
0x12e: {  	_ =	swait.ge [sflag:s21], $0x800  }
0x12f: {  	[sflag:s21] =	ssyncset.done $0x0  }
0x130: {  	[sflag:s21] =	ssyncadd.s32 $0xFFFFF800  }
0x131: {  	_ =	swait.ge [sflag:s21], $0x800  }
0x132: {  	[sflag:s21] =	ssyncset.done $0x0  }
0x133: {  	[sflag:s21] =	ssyncadd.s32 $0xFFFFF800  }
0x134: {  	_ =	swait.ge [sflag:s21], $0x800  }
0x135: {  	[sflag:s21] =	ssyncset.done $0x0  }
0x136: {  	[sflag:s21] =	ssyncadd.s32 $0xFFFFF800  }
0x137: {  	_ =	swait.ge [sflag:s21], $0x800  }
0x138: {  	[sflag:s21] =	ssyncset.done $0x0  }
0x139: {  	[sflag:s21] =	ssyncadd.s32 $0xFFFFF800  }
0x13a: {  	_ =	swait.ge [sflag:s21], $0x800  }
0x13b: {  	[sflag:s21] =	ssyncset.done $0x0  }
0x13c: {  	[sflag:s21] =	ssyncadd.s32 $0xFFFFF800  }
0x13d: {  	_ =	swait.ge [sflag:s21], $0x800  }
0x13e: {  	[sflag:s21] =	ssyncset.done $0x0  }
0x13f: {  	[sflag:s21] =	ssyncadd.s32 $0xFFFFF800  }
0x140: {  	_ =	swait.ge [sflag:s21], $0x800  }
0x141: {  	[sflag:s21] =	ssyncset.done $0x0  }
0x142: {  	[sflag:s21] =	ssyncadd.s32 $0xFFFFF800  }
0x143: {  	_ =	swait.ge [sflag:s21], $0x800  }
0x144: {  	[sflag:s21] =	ssyncset.done $0x0  }
0x145: {  	[sflag:s21] =	ssyncadd.s32 $0xFFFFF800  }
0x146: {  	_ =	swait.ge [sflag:s21], $0x800  }
0x147: {  	[sflag:s21] =	ssyncset.done $0x0  }
0x148: {  	[sflag:s21] =	ssyncadd.s32 $0xFFFFF800  }
0x149: {  	v2 =	vld [tilespmem:s25+$0x0]  }
0x14a: {  	v3 =	vld [tilespmem:s23+$0x0];
	_ =	sdelay $0x3  }
0x14b: {  	(v2sf) =	vpush v2, $0x0  }
0x14c: {  	(v2sf) =	vpush v3, $0x0;
	_ =	sdelay $0x7  }
0x14d: {  	(v2sf) =	vpush v2, $0x1  }
0x14e: {  	(v2sf) =	vpush v3, $0x1;
	_ =	sdelay $0x4  }
0x14f: {  	s29 =	spop (v2sf)  }
0x150: {  	s28 =	spop (v2sf);
	s26 =	sand.u32 $0x7F, s29  }
0x151: {  	s28 =	sand.u32 $0x7F, s28;
	v4 =	vor.u32 s26, v0  }
0x152: {  	(v2sf) =	vpush v2, $0x2;
	v5 =	vor.u32 s28, v0  }
0x153: {  	(v2sf) =	vpush v3, $0x2;
	_ =	sdelay $0x1  }
0x154: {  	s29 =	simm.s32 $0x2700  }
0x155: {  	s28 =	simm.s32 $0xA700;
	v4 =	vld.idx.msk [tilespmem:v4+s29+$0x0], $0xffff  }
0x156: {  	v5 =	vld.idx.msk [tilespmem:v5+s28+$0x0], $0xffff  }
0x157: {  	s29 =	sadd.s32 $0xFFFFFFF1, s24;
	s28 =	spop (v2sf)  }
0x158: {  	v6 =	vor.u32 s29, v1;
	s29 =	spop (v2sf);
	s28 =	sand.u32 $0x7F, s28  }
0x159: {  	s26 =	sand.u32 $0x7F, s29;
	v7 =	vor.u32 s28, v0  }
0x15a: {  	(v2sf) =	vpush v2, $0x3;
	v8 =	vor.u32 s26, v0  }
0x15b: {  	(v2sf) =	vpush v3, $0x3;
	v4 =	vmul.f32 v5, v4;
	_ =	sdelay $0x1  }
0x15c: {  	s29 =	simm.s32 $0x2F00;
	[tilespmem:v6+s14+$0x0] =	vst.idx.msk $0xffff, v4  }
0x15d: {  	s28 =	simm.s32 $0xAF00;
	v4 =	vld.idx.msk [tilespmem:v7+s29+$0x0], $0xffff  }
0x15e: {  	v42 =	vld.idx.msk [tilespmem:v8+s28+$0x0], $0xffff  }
0x15f: {  	s29 =	sadd.s32 $0xFFFFFFF2, s24;
	s28 =	spop (v2sf)  }
0x160: {  	v43 =	vor.u32 s29, v1;
	s29 =	spop (v2sf);
	s28 =	sand.u32 $0x7F, s28  }
0x161: {  	s26 =	sand.u32 $0x7F, s29;
	v44 =	vor.u32 s28, v0  }
0x162: {  	(v2sf) =	vpush v2, $0x4;
	v45 =	vor.u32 s26, v0  }
0x163: {  	(v2sf) =	vpush v3, $0x4;
	v4 =	vmul.f32 v42, v4;
	_ =	sdelay $0x1  }
0x164: {  	s29 =	simm.s32 $0x3700;
	[tilespmem:v43+s14+$0x0] =	vst.idx.msk $0xffff, v4  }
0x165: {  	s28 =	simm.s32 $0xB700;
	v4 =	vld.idx.msk [tilespmem:v44+s29+$0x0], $0xffff  }
0x166: {  	v46 =	vld.idx.msk [tilespmem:v45+s28+$0x0], $0xffff  }
0x167: {  	s29 =	sadd.s32 $0xFFFFFFF3, s24;
	s28 =	spop (v2sf)  }
0x168: {  	v47 =	vor.u32 s29, v1;
	s29 =	spop (v2sf);
	s28 =	sand.u32 $0x7F, s28  }
0x169: {  	s26 =	sand.u32 $0x7F, s29;
	v48 =	vor.u32 s28, v0  }
0x16a: {  	(v2sf) =	vpush v2, $0x5;
	v49 =	vor.u32 s26, v0  }
0x16b: {  	(v2sf) =	vpush v3, $0x5;
	v4 =	vmul.f32 v46, v4;
	_ =	sdelay $0x1  }
0x16c: {  	s29 =	simm.s32 $0x3F00;
	[tilespmem:v47+s14+$0x0] =	vst.idx.msk $0xffff, v4  }
0x16d: {  	s28 =	simm.s32 $0xBF00;
	v4 =	vld.idx.msk [tilespmem:v48+s29+$0x0], $0xffff  }
0x16e: {  	v50 =	vld.idx.msk [tilespmem:v49+s28+$0x0], $0xffff  }
0x16f: {  	s29 =	sadd.s32 $0xFFFFFFF4, s24;
	s28 =	spop (v2sf)  }
0x170: {  	v51 =	vor.u32 s29, v1;
	s29 =	spop (v2sf);
	s28 =	sand.u32 $0x7F, s28  }
0x171: {  	s26 =	sand.u32 $0x7F, s29;
	v52 =	vor.u32 s28, v0  }
0x172: {  	(v2sf) =	vpush v2, $0x6;
	v53 =	vor.u32 s26, v0  }
0x173: {  	(v2sf) =	vpush v3, $0x6;
	v4 =	vmul.f32 v50, v4;
	_ =	sdelay $0x1  }
0x174: {  	s29 =	simm.s32 $0x4700;
	[tilespmem:v51+s14+$0x0] =	vst.idx.msk $0xffff, v4  }
0x175: {  	s28 =	simm.s32 $0xC700;
	v4 =	vld.idx.msk [tilespmem:v52+s29+$0x0], $0xffff  }
0x176: {  	v54 =	vld.idx.msk [tilespmem:v53+s28+$0x0], $0xffff  }
0x177: {  	s29 =	sadd.s32 $0xFFFFFFF5, s24;
	s28 =	spop (v2sf)  }
0x178: {  	v55 =	vor.u32 s29, v1;
	s29 =	spop (v2sf);
	s28 =	sand.u32 $0x7F, s28  }
0x179: {  	s26 =	sand.u32 $0x7F, s29;
	v56 =	vor.u32 s28, v0  }
0x17a: {  	(v2sf) =	vpush v2, $0x7;
	v2 =	vor.u32 s26, v0  }
0x17b: {  	(v2sf) =	vpush v3, $0x7;
	v4 =	vmul.f32 v54, v4;
	_ =	sdelay $0x1  }
0x17c: {  	s29 =	simm.s32 $0x4F00;
	[tilespmem:v55+s14+$0x0] =	vst.idx.msk $0xffff, v4  }
0x17d: {  	s28 =	simm.s32 $0xCF00;
	v3 =	vld.idx.msk [tilespmem:v56+s29+$0x0], $0xffff  }
0x17e: {  	v2 =	vld.idx.msk [tilespmem:v2+s28+$0x0], $0xffff  }
0x17f: {  	s26 =	spop (v2sf);
	s29 =	sadd.s32 $0xFFFFFFF6, s24  }
0x180: {  	s26 =	sand.u32 $0x7F, s26;
	v57 =	vor.u32 s29, v1;
	s29 =	spop (v2sf)  }
0x181: {  	v58 =	vor.u32 s26, v0;
	s28 =	sand.u32 $0x7F, s29  }
0x182: {  	v59 =	vor.u32 s28, v0  }
0x183: {  	v2 =	vmul.f32 v2, v3;
	_ =	sdelay $0x1  }
0x184: {  	s28 =	simm.s32 $0x5700;
	[tilespmem:v57+s14+$0x0] =	vst.idx.msk $0xffff, v2  }
0x185: {  	v2 =	vld.idx.msk [tilespmem:v58+s28+$0x0], $0xffff  }
0x186: {  	v3 =	vld.idx.msk [tilespmem:v59+s30+$0x0], $0xffff  }
0x187: {  	s29 =	sadd.s32 $0xFFFFFFF7, s24;
	s26 =	spop (v2sf)  }
0x188: {  	v60 =	vor.u32 s29, v1;
	s29 =	spop (v2sf);
	s26 =	sand.u32 $0x7F, s26  }
0x189: {  	v61 =	vor.u32 s26, v0;
	s28 =	sand.u32 $0x7F, s29  }
0x18a: {  	v62 =	vor.u32 s28, v0  }
0x18b: {  	v2 =	vmul.f32 v3, v2;
	_ =	sdelay $0x1  }
0x18c: {  	[tilespmem:v60+s14+$0x0] =	vst.idx.msk $0xffff, v2  }
0x18d: {  	v2 =	vld.idx.msk [tilespmem:v61+s31+$0x0], $0xffff  }
0x18e: {  	v3 =	vld.idx.msk [tilespmem:v62+s0+$0x0], $0xffff  }
0x18f: {  	s29 =	sadd.s32 $0xFFFFFFF8, s24  }
0x190: {  	p0 =	seq.s32 s24, $0x1FF;
	v63 =	vor.u32 s29, v1  }
.Ltmp2:
0x191: {  	_ = 	snop;
	(pc) =	sbr.rel @p0 .LBB2_4-.Ltmp2, $3  }
0x192: {  	_ = 	snop  }
0x193: {  	v2 =	vmul.f32 v3, v2;
	_ =	sdelay $0x1  }
0x194: {  	[tilespmem:v63+s14+$0x0] =	vst.idx.msk $0xffff, v2  }
0x195: {  	v2 =	vld [tilespmem:s25+$0x10];
	_ =	sdelay $0x3  }
0x196: {  	v3 =	vld [tilespmem:s23+$0x10]  }
0x197: {  	(v2sf) =	vpush v2, $0x0;
	_ =	sdelay $0x3  }
0x198: {  	(v2sf) =	vpush v3, $0x0;
	_ =	sdelay $0x1  }
0x199: {  	(v2sf) =	vpush v2, $0x1;
	_ =	sdelay $0x2  }
0x19a: {  	(v2sf) =	vpush v3, $0x1;
	_ =	sdelay $0x5  }
0x19b: {  	s26 =	spop (v2sf);
	(v2sf) =	vpush v2, $0x2  }
0x19c: {  	s26 =	sand.u32 $0xFFFFF80, s26  }
0x19d: {  	s28 =	simm.s32 $0x2700;
	s26 =	sadd.s32 s1, s26  }
0x19e: {  	[tilespmem:s28], [sflag:$0x1] =	stream.strided.gather [hbm4b:s26+s14], $0x800, s15, s14, $0x38;
	[tilespmem:$0x12700] =	vst v63  }
0x19f: {  	s28 =	spop (v2sf);
	(v2sf) =	vpush v3, $0x2;
	_ =	sdelay $0x1  }
0x1a0: {  	s26 =	sand.u32 $0xFFFFF80, s28;
	s28 =	spop (v2sf);
	(v2sf) =	vpush v2, $0x3  }
0x1a1: {  	s29 =	simm.s32 $0xA700;
	s26 =	sadd.s32 s2, s26  }
0x1a2: {  	[tilespmem:s29], [sflag:$0x1] =	stream.strided.gather [hbm4b:s26+s14], $0x800, s15, s14, $0x38;
	[tilespmem:$0x12700] =	vst v63  }
0x1a3: {  	s26 =	sand.u32 $0xFFFFF80, s28;
	s28 =	spop (v2sf);
	(v2sf) =	vpush v3, $0x3;
	_ =	sdelay $0x3  }
0x1a4: {  	s29 =	simm.s32 $0x2F00;
	s26 =	sadd.s32 s1, s26  }
0x1a5: {  	[tilespmem:s29], [sflag:$0x1] =	stream.strided.gather [hbm4b:s26+s14], $0x800, s15, s14, $0x38;
	[tilespmem:$0x12700] =	vst v63  }
0x1a6: {  	s26 =	sand.u32 $0xFFFFF80, s28;
	s28 =	spop (v2sf);
	(v2sf) =	vpush v2, $0x4  }
0x1a7: {  	s29 =	simm.s32 $0xAF00;
	s26 =	sadd.s32 s2, s26  }
0x1a8: {  	[tilespmem:s29], [sflag:$0x1] =	stream.strided.gather [hbm4b:s26+s14], $0x800, s15, s14, $0x38;
	[tilespmem:$0x12700] =	vst v63  }
0x1a9: {  	s26 =	sand.u32 $0xFFFFF80, s28  }
0x1aa: {  	s29 =	simm.s32 $0x3700;
	s26 =	sadd.s32 s1, s26;
	s28 =	spop (v2sf);
	(v2sf) =	vpush v3, $0x4  }
0x1ab: {  	[tilespmem:s29], [sflag:$0x1] =	stream.strided.gather [hbm4b:s26+s14], $0x800, s15, s14, $0x38;
	[tilespmem:$0x12700] =	vst v63  }
0x1ac: {  	s26 =	sand.u32 $0xFFFFF80, s28;
	s28 =	spop (v2sf);
	(v2sf) =	vpush v2, $0x5  }
0x1ad: {  	s29 =	simm.s32 $0xB700;
	s26 =	sadd.s32 s2, s26  }
0x1ae: {  	[tilespmem:s29], [sflag:$0x1] =	stream.strided.gather [hbm4b:s26+s14], $0x800, s15, s14, $0x38;
	[tilespmem:$0x12700] =	vst v63  }
0x1af: {  	s26 =	sand.u32 $0xFFFFF80, s28;
	s28 =	spop (v2sf);
	(v2sf) =	vpush v3, $0x5;
	_ =	sdelay $0x3  }
0x1b0: {  	s29 =	simm.s32 $0x3F00;
	s26 =	sadd.s32 s1, s26  }
0x1b1: {  	[tilespmem:s29], [sflag:$0x1] =	stream.strided.gather [hbm4b:s26+s14], $0x800, s15, s14, $0x38;
	[tilespmem:$0x12700] =	vst v63  }
0x1b2: {  	s26 =	sand.u32 $0xFFFFF80, s28;
	s28 =	spop (v2sf);
	(v2sf) =	vpush v2, $0x6  }
0x1b3: {  	s29 =	simm.s32 $0xBF00;
	s26 =	sadd.s32 s2, s26  }
0x1b4: {  	[tilespmem:s29], [sflag:$0x1] =	stream.strided.gather [hbm4b:s26+s14], $0x800, s15, s14, $0x38;
	[tilespmem:$0x12700] =	vst v63  }
0x1b5: {  	s26 =	sand.u32 $0xFFFFF80, s28  }
0x1b6: {  	s29 =	simm.s32 $0x4700;
	s26 =	sadd.s32 s1, s26;
	s28 =	spop (v2sf);
	(v2sf) =	vpush v3, $0x6  }
0x1b7: {  	[tilespmem:s29], [sflag:$0x1] =	stream.strided.gather [hbm4b:s26+s14], $0x800, s15, s14, $0x38;
	[tilespmem:$0x12700] =	vst v63  }
0x1b8: {  	s26 =	sand.u32 $0xFFFFF80, s28;
	s28 =	spop (v2sf);
	(v2sf) =	vpush v2, $0x7  }
0x1b9: {  	s29 =	simm.s32 $0xC700;
	s26 =	sadd.s32 s2, s26  }
0x1ba: {  	[tilespmem:s29], [sflag:$0x1] =	stream.strided.gather [hbm4b:s26+s14], $0x800, s15, s14, $0x38;
	[tilespmem:$0x12700] =	vst v63  }
0x1bb: {  	s26 =	sand.u32 $0xFFFFF80, s28;
	s28 =	spop (v2sf);
	(v2sf) =	vpush v3, $0x7  }
0x1bc: {  	s29 =	simm.s32 $0x4F00;
	s26 =	sadd.s32 s1, s26  }
0x1bd: {  	[tilespmem:s29], [sflag:$0x1] =	stream.strided.gather [hbm4b:s26+s14], $0x800, s15, s14, $0x38;
	[tilespmem:$0x12700] =	vst v63  }
0x1be: {  	s26 =	sand.u32 $0xFFFFF80, s28  }
0x1bf: {  	s29 =	simm.s32 $0xCF00;
	s26 =	sadd.s32 s2, s26  }
0x1c0: {  	[tilespmem:s29], [sflag:$0x1] =	stream.strided.gather [hbm4b:s26+s14], $0x800, s15, s14, $0x38;
	[tilespmem:$0x12700] =	vst v63  }
0x1c1: {  	s28 =	spop (v2sf)  }
0x1c2: {  	s26 =	sand.u32 $0xFFFFF80, s28  }
0x1c3: {  	s29 =	simm.s32 $0x5700;
	s26 =	sadd.s32 s1, s26  }
0x1c4: {  	[tilespmem:s29], [sflag:$0x1] =	stream.strided.gather [hbm4b:s26+s14], $0x800, s15, s14, $0x38;
	[tilespmem:$0x12700] =	vst v63  }
0x1c5: {  	s29 =	spop (v2sf)  }
0x1c6: {  	s26 =	sand.u32 $0xFFFFF80, s29  }
0x1c7: {  	s28 =	spop (v2sf);
	s26 =	sadd.s32 s2, s26  }
0x1c8: {  	[tilespmem:s30], [sflag:$0x1] =	stream.strided.gather [hbm4b:s26+s14], $0x800, s15, s14, $0x38;
	[tilespmem:$0x12700] =	vst v63  }
0x1c9: {  	s26 =	sand.u32 $0xFFFFF80, s28  }
.Ltmp3:
0x1ca: {  	s29 =	spop (v2sf);
	s26 =	sadd.s32 s1, s26;
	(pc) =	sbr.rel .LBB2_4-.Ltmp3, $4  }
0x1cb: {  	[tilespmem:s31], [sflag:$0x1] =	stream.strided.gather [hbm4b:s26+s14], $0x800, s15, s14, $0x38;
	[tilespmem:$0x12700] =	vst v63  }
0x1cc: {  	s26 =	sand.u32 $0xFFFFF80, s29  }
0x1cd: {  	s26 =	sadd.s32 s2, s26  }
0x1ce: {  	[tilespmem:s0], [sflag:$0x1] =	stream.strided.gather [hbm4b:s26+s14], $0x800, s15, s14, $0x38;
	[tilespmem:$0x12700] =	vst v63  }
.LBB2_5:
0x1cf: {  	s23 =	simm.s32 $0x0;
	s24 =	simm.s32 $0x400  }
0x1d0: {  	s23 =	sand.u32 $0x1F0, s23;
	v3 =	vld [tilespmem:s24+$0x0]  }
0x1d1: {  	v2 =	vld [tilespmem:s23+$0x600];
	_ =	sdelay $0x1  }
0x1d2: {  	v4 =	vld [tilespmem:s23+$0x800];
	_ =	sdelay $0x1  }
0x1d3: {  	v5 =	vld [tilespmem:s23+$0xA00]  }
0x1d4: {  	v2 =	vadd.f32 v2, v3  }
0x1d5: {  	v3 =	vld [tilespmem:s23+$0xC00]  }
0x1d6: {  	v2 =	vadd.f32 v4, v2  }
0x1d7: {  	v4 =	vld [tilespmem:s23+$0xE00]  }
0x1d8: {  	v2 =	vadd.f32 v5, v2  }
0x1d9: {  	v5 =	vld [tilespmem:s23+$0x1000]  }
0x1da: {  	v2 =	vadd.f32 v3, v2  }
0x1db: {  	v3 =	vld [tilespmem:s23+$0x1200]  }
0x1dc: {  	v2 =	vadd.f32 v4, v2  }
0x1dd: {  	v4 =	vld [tilespmem:s23+$0x1400]  }
0x1de: {  	v2 =	vadd.f32 v5, v2  }
0x1df: {  	v5 =	vld [tilespmem:s23+$0x1600]  }
0x1e0: {  	v2 =	vadd.f32 v3, v2  }
0x1e1: {  	v3 =	vld [tilespmem:s23+$0x1800]  }
0x1e2: {  	v2 =	vadd.f32 v4, v2  }
0x1e3: {  	v4 =	vld [tilespmem:s23+$0x1A00]  }
0x1e4: {  	v2 =	vadd.f32 v5, v2  }
0x1e5: {  	v5 =	vld [tilespmem:s23+$0x1C00]  }
0x1e6: {  	v2 =	vadd.f32 v3, v2  }
0x1e7: {  	v3 =	vld [tilespmem:s23+$0x1E00]  }
0x1e8: {  	v2 =	vadd.f32 v4, v2  }
0x1e9: {  	v4 =	vld [tilespmem:s23+$0x2000]  }
0x1ea: {  	v2 =	vadd.f32 v5, v2  }
0x1eb: {  	v5 =	vld [tilespmem:s23+$0x2200]  }
0x1ec: {  	v3 =	vadd.f32 v3, v2  }
0x1ed: {  	v2 =	vld [tilespmem:$0x2600]  }
0x1ee: {  	v4 =	vadd.f32 v4, v3  }
0x1ef: {  	v3 =	vld [tilespmem:$0x2680]  }
0x1f0: {  	v4 =	vadd.f32 v5, v4;
	_ =	sdelay $0x1  }
0x1f1: {  	v4 =	vmul.f32 v4, v2;
	_ =	sdelay $0x1  }
0x1f2: {  	v4 =	vadd.f32 v4, v3;
	_ =	sdelay $0x1  }
0x1f3: {  	v4 =	vsub.f32 $0.0e+00, v4;
	_ =	sdelay $0x1  }
0x1f4: {  	v4 =	vmul.f32 $1.442695020e+00, v4;
	_ =	sdelay $0x1  }
0x1f5: {  	(erf) = vpow2.f32 v4;
	_ =	sdelay $0x8  }
0x1f6: {  	v4 =	vpop (erf)  }
0x1f7: {  	v4 =	vadd.f32 $1.000000000e+00, v4;
	_ =	sdelay $0x1  }
0x1f8: {  	(erf) = vrcp.f32 v4;
	_ =	sdelay $0x8  }
0x1f9: {  	s29 =	simm.s32 $0x10;
	s23 =	simm.s32 $0x2400;
	v4 =	vpop (erf)  }
0x1fa: {  	s26 =	sand.u32 $0x1F0, s29;
	[tilespmem:s23+$0x0] =	vst v4  }
0x1fb: {  	s25 =	simm.s32 $0x20;
	s24 =	simm.s32 $0x410;
	v4 =	vld [tilespmem:s26+$0x600]  }
.LBB2_6:
0x1fc: {  	p0 =	sne.s32 s25, $0x1F0;
	v5 =	vld [tilespmem:s24+$0x0];
	_ =	sdelay $0x1  }
0x1fd: {  	v6 =	vld [tilespmem:s26+$0x800];
	_ =	sdelay $0x1  }
0x1fe: {  	v7 =	vld [tilespmem:s26+$0xA00]  }
0x1ff: {  	v4 =	vadd.f32 v4, v5  }
0x200: {  	v5 =	vld [tilespmem:s26+$0xC00]  }
0x201: {  	v4 =	vadd.f32 v6, v4  }
0x202: {  	v6 =	vld [tilespmem:s26+$0xE00]  }
0x203: {  	v4 =	vadd.f32 v7, v4  }
0x204: {  	v7 =	vld [tilespmem:s26+$0x1000]  }
0x205: {  	v4 =	vadd.f32 v5, v4  }
0x206: {  	v5 =	vld [tilespmem:s26+$0x1200]  }
0x207: {  	v4 =	vadd.f32 v6, v4  }
0x208: {  	v6 =	vld [tilespmem:s26+$0x1400]  }
0x209: {  	v4 =	vadd.f32 v7, v4  }
0x20a: {  	v7 =	vld [tilespmem:s26+$0x1600]  }
0x20b: {  	v4 =	vadd.f32 v5, v4  }
0x20c: {  	v5 =	vld [tilespmem:s26+$0x1800]  }
0x20d: {  	v4 =	vadd.f32 v6, v4  }
0x20e: {  	v6 =	vld [tilespmem:s26+$0x1A00]  }
0x20f: {  	v4 =	vadd.f32 v7, v4  }
0x210: {  	v7 =	vld [tilespmem:s26+$0x1C00]  }
0x211: {  	v4 =	vadd.f32 v5, v4  }
0x212: {  	v5 =	vld [tilespmem:s26+$0x1E00]  }
0x213: {  	v4 =	vadd.f32 v6, v4  }
0x214: {  	v6 =	vld [tilespmem:s26+$0x2000]  }
0x215: {  	v4 =	vadd.f32 v7, v4  }
0x216: {  	v7 =	vld [tilespmem:s26+$0x2200]  }
0x217: {  	v4 =	vadd.f32 v5, v4;
	_ =	sdelay $0x1  }
0x218: {  	v4 =	vadd.f32 v6, v4;
	_ =	sdelay $0x1  }
0x219: {  	v4 =	vadd.f32 v7, v4;
	_ =	sdelay $0x1  }
0x21a: {  	v4 =	vmul.f32 v4, v2;
	_ =	sdelay $0x1  }
0x21b: {  	v4 =	vadd.f32 v4, v3;
	_ =	sdelay $0x1  }
0x21c: {  	v4 =	vsub.f32 $0.0e+00, v4;
	_ =	sdelay $0x1  }
0x21d: {  	v4 =	vmul.f32 $1.442695020e+00, v4;
	_ =	sdelay $0x1  }
0x21e: {  	(erf) = vpow2.f32 v4;
	_ =	sdelay $0x8  }
0x21f: {  	v4 =	vpop (erf)  }
0x220: {  	v4 =	vadd.f32 $1.000000000e+00, v4;
	_ =	sdelay $0x1  }
0x221: {  	(erf) = vrcp.f32 v4;
	_ =	sdelay $0x6  }
.Ltmp4:
0x222: {  	(pc) =	sbr.rel @p0 .LBB2_6-.Ltmp4, $4  }
0x223: {  	_ = 	snop  }
0x224: {  	s23 =	sadd.s32 $0x10, s23;
	v4 =	vpop (erf)  }
0x225: {  	s26 =	sand.u32 $0x1F0, s25;
	[tilespmem:s23+$0x0] =	vst v4  }
0x226: {  	s24 =	sadd.s32 $0x10, s24;
	s25 =	sadd.s32 $0x10, s25;
	v4 =	vld [tilespmem:s26+$0x600]  }
0x227: {  	v5 =	vld [tilespmem:s24+$0x0];
	_ =	sdelay $0x1  }
0x228: {  	v6 =	vld [tilespmem:s26+$0x800];
	_ =	sdelay $0x1  }
0x229: {  	v7 =	vld [tilespmem:s26+$0xA00]  }
0x22a: {  	v4 =	vadd.f32 v4, v5  }
0x22b: {  	v52 =	vld [tilespmem:s26+$0xC00]  }
0x22c: {  	v4 =	vadd.f32 v6, v4  }
0x22d: {  	v53 =	vld [tilespmem:s26+$0xE00]  }
0x22e: {  	v4 =	vadd.f32 v7, v4  }
0x22f: {  	v54 =	vld [tilespmem:s26+$0x1000]  }
0x230: {  	v4 =	vadd.f32 v52, v4  }
0x231: {  	v55 =	vld [tilespmem:s26+$0x1200]  }
0x232: {  	v4 =	vadd.f32 v53, v4  }
0x233: {  	v56 =	vld [tilespmem:s26+$0x1400]  }
0x234: {  	v4 =	vadd.f32 v54, v4  }
0x235: {  	v57 =	vld [tilespmem:s26+$0x1600]  }
0x236: {  	v4 =	vadd.f32 v55, v4  }
0x237: {  	v58 =	vld [tilespmem:s26+$0x1800]  }
0x238: {  	v4 =	vadd.f32 v56, v4  }
0x239: {  	v59 =	vld [tilespmem:s26+$0x1A00]  }
0x23a: {  	v4 =	vadd.f32 v57, v4  }
0x23b: {  	v60 =	vld [tilespmem:s26+$0x1C00]  }
0x23c: {  	v4 =	vadd.f32 v58, v4  }
0x23d: {  	v61 =	vld [tilespmem:s26+$0x1E00]  }
0x23e: {  	v4 =	vadd.f32 v59, v4  }
0x23f: {  	v62 =	vld [tilespmem:s26+$0x2000]  }
0x240: {  	v4 =	vadd.f32 v60, v4  }
0x241: {  	v63 =	vld [tilespmem:s26+$0x2200]  }
0x242: {  	v4 =	vadd.f32 v61, v4;
	_ =	sdelay $0x1  }
0x243: {  	v4 =	vadd.f32 v62, v4;
	_ =	sdelay $0x1  }
0x244: {  	v4 =	vadd.f32 v63, v4;
	_ =	sdelay $0x1  }
0x245: {  	v2 =	vmul.f32 v4, v2;
	_ =	sdelay $0x1  }
0x246: {  	v2 =	vadd.f32 v2, v3;
	_ =	sdelay $0x1  }
0x247: {  	v2 =	vsub.f32 $0.0e+00, v2;
	_ =	sdelay $0x1  }
0x248: {  	v2 =	vmul.f32 $1.442695020e+00, v2;
	_ =	sdelay $0x1  }
0x249: {  	(erf) = vpow2.f32 v2;
	_ =	sdelay $0x8  }
0x24a: {  	v2 =	vpop (erf)  }
0x24b: {  	v2 =	vadd.f32 $1.000000000e+00, v2;
	_ =	sdelay $0x1  }
0x24c: {  	(erf) = vrcp.f32 v2;
	_ =	sdelay $0x8  }
0x24d: {  	s23 =	sadd.s32 $0x10, s23;
	v2 =	vpop (erf)  }
0x24e: {  	s24 =	simm.s32 $0x0;
	s26 =	rddreg [dreg:$0xb];
	s25 =	simm.s32 $0x2400;
	[tilespmem:s23+$0x0] =	vst v2  }
0x24f: {  	[hbm4b:s26+s24] =	stream.linear.scatter [tilespmem:s25], [sflag:$0x3], $0x200, $0x38;
	[tilespmem:$0x12700] =	vst v63  }
0x250: {  	s26 =	simm.s32 $0x3  }
0x251: {  	_ =	swait.ge [sflag:s26], $0x200  }
0x252: {  	s28 =	rddreg [dreg:$0xd]  }
0x253: {  	s29 =	rddreg [dreg:$0xc];
	s25 =	sadd.s32 $0x1, s28  }
0x254: {  	p0 =	sne.s32 s25, s29  }
.Ltmp5:
0x255: {  	_ = 	snop;
	(pc) =	sbr.rel @p0 .LBB2_1-.Ltmp5, $3  }
0x256: {  	_ =	sdelay $0x1  }
0x257: {  	[sflag:s26] =	ssyncset.done $0x0  }
0x258: {  	[sflag:s26] =	ssyncadd.s32 $0xFFFFFE00  }
0x259: {  	_ =	sfence.sel $0x180000  }
0x25a: {  	[bflag:$0x0] =	sbarrier.arrive $0xFFFF  }
0x25b: {  	_ =	strace $0x90000047  }
0x25c: {  	s0 =	stileid.u32;
	[bflag:$0x2] =	sbarrier.arrive $0xFFFF  }
0x25d: {  	p0 =	sne.s32 s0, $0x0;
	s0 =	rddreg [dreg:$0x6]  }
0x25e: {  	s0 =	sadd.s32 @!p0 $0x100000, s0  }
0x25f: {  	[sflag:s0] =	ssyncadd.tile.s32 @!p0 $0x1;
	_ =	shalt  }
.Lfunc_end2:
_tile_overlayer_lowered:
.L_overlay_start_2:
0x260: {  	(tag) =	ssettag $0x2  }
0x261: {  	s0 =	rddreg [dreg:$0x0];
	s2 =	stileid.u32  }
0x262: {  	s1 =	rddreg [dreg:$0x1];
	p0 =	sne.s32 s2, $0x0  }
0x263: {  	s3 =	rddreg [dreg:$0x2];
	[bflag:$0x3] =	sbarrier.arrive $0xFFFF;
	s2 =	simm.s32 @!p0 $0x1C03  }
0x264: {  	[timem:s3], [sflag:s2] =	dma.local @!p0 [hbm:s0], s1  }
0x265: {  	s0 =	simm.s32 @!p0 $0x3  }
0x266: {  	_ =	swait.ge @!p0 [sflag:s0], s1  }
0x267: {  	s1 =	ssub.s32 @!p0 $0x0, s1;
	[sflag:s0] =	ssyncset.done @!p0 $0x0  }
0x268: {  	[sflag:s0] =	ssyncadd.s32 @!p0 s1  }
0x269: {  	[bflag:$0x3] =	sbarrier.arrive $0xFFFF  }
0x26a: {  	_ =	shalt  }

</sc_bundles>
